<compile_context>
chip_gen: v7x
topology: tpu7x:2x2x1
jax: 0.10.2.dev20260603
libtpu: 0.0.44.dev20260713+nightly
codegen_flags: <defaults>
</compile_context>

<pallas_src>
import functools

import jax
import jax.numpy as jnp
from jax import lax
from jax.experimental import pallas as pl
from jax.experimental.pallas import tpu as pltpu, tpu_sc as plsc

_L = 128
_DEGW = 16


def _zero_vmem_2d(buf, rows, cols):
    zero16 = jnp.zeros((16,), jnp.float32)
    per_row = cols // 16

    def body(r, _):
        for q in range(per_row):
            buf[r, pl.ds(q * 16, 16)] = zero16
        return 0

    lax.fori_loop(0, rows, body, 0)


def _fill_vmem_2d(buf, rows, cols, value):
    v16 = jnp.full((16,), value, jnp.float32)
    per_row = cols // 16

    def body(r, _):
        for q in range(per_row):
            buf[r, pl.ds(q * 16, 16)] = v16
        return 0

    lax.fori_loop(0, rows, body, 0)


def _copy_zero_slice(zbuf, dst, base, rows):
    nfull, rem = rows // 128, rows % 128
    for q in range(nfull):
        pltpu.sync_copy(zbuf, dst.at[pl.ds(base + q * 128, 128)])
    if rem:
        pltpu.sync_copy(zbuf.at[pl.ds(0, rem)],
                        dst.at[pl.ds(base + nfull * 128, rem)])


def _make_deg_kernel(n_pad, k_chunks, rows_per_tile, nc, ns):
    mesh = plsc.VectorSubcoreMesh(core_axis_name="c", subcore_axis_name="s")

    @functools.partial(
        pl.kernel,
        out_type=jax.ShapeDtypeStruct((nc, n_pad, _DEGW), jnp.float32),
        mesh=mesh,
        scratch_types=[
            pltpu.VMEM((k_chunks, _L), jnp.int32),
            pltpu.VMEM((_L, _DEGW), jnp.float32),
            pltpu.VMEM_SHARED((n_pad, _DEGW), jnp.float32),
        ],
        compiler_params=pltpu.CompilerParams(use_tc_tiling_on_sc=False),
    )
    def deg_kernel(dstp_hbm, zeros_hbm, ones_hbm, out_hbm, dst_v, ones_v, d_sh):
        c = lax.axis_index("c")
        s = lax.axis_index("s")
        t = c * ns + s
        pltpu.sync_copy(dstp_hbm.at[t], dst_v)
        pltpu.sync_copy(ones_hbm, ones_v)
        base = s * rows_per_tile
        pltpu.sync_copy(zeros_hbm, d_sh.at[pl.ds(base, rows_per_tile)])
        plsc.subcore_barrier()

        def body(j, _):
            pltpu.sync_copy(ones_v, d_sh.at[dst_v.at[j]], add=True)
            return 0

        lax.fori_loop(0, k_chunks, body, 0)
        plsc.subcore_barrier()
        pltpu.sync_copy(d_sh.at[pl.ds(base, rows_per_tile)],
                        out_hbm.at[c, pl.ds(base, rows_per_tile)])

    return deg_kernel


_IB = 16


def _make_agg_kernel(n_pad, dh, k_chunks, rows_per_tile, nc, ns, nbuf=4):
    mesh = plsc.VectorSubcoreMesh(core_axis_name="c", subcore_axis_name="s")
    assert k_chunks % nbuf == 0
    kb = k_chunks // nbuf

    @functools.partial(
        pl.kernel,
        out_type=jax.ShapeDtypeStruct((nc, n_pad, dh), jnp.float32),
        mesh=mesh,
        scratch_types=[
            pltpu.VMEM((k_chunks, _L), jnp.int32),
            pltpu.VMEM((k_chunks, _L), jnp.int32),
        ]
        + [pltpu.VMEM((_L, dh), jnp.float32) for _ in range(nbuf)]
        + [pltpu.VMEM_SHARED((n_pad, dh), jnp.float32)]
        + [pltpu.SemaphoreType.DMA for _ in range(nbuf)],
        compiler_params=pltpu.CompilerParams(use_tc_tiling_on_sc=False),
    )
    def agg_kernel(y_hbm, srcp_hbm, dstp_hbm, zeros_hbm, out_hbm,
                   src_v, dst_v, *rest):
        bufs = rest[:nbuf]
        z_sh = rest[nbuf]
        sems = rest[nbuf + 1:2 * nbuf + 1]
        c = lax.axis_index("c")
        s = lax.axis_index("s")
        pltpu.sync_copy(srcp_hbm.at[c, s], src_v)
        pltpu.sync_copy(dstp_hbm.at[s], dst_v)
        base = s * rows_per_tile
        pltpu.sync_copy(zeros_hbm, z_sh.at[pl.ds(base, rows_per_tile)])
        plsc.subcore_barrier()

        for b in range(nbuf):
            pltpu.async_copy(y_hbm.at[src_v.at[b]], bufs[b], sems[b])

        def body(i, _):
            for b in range(nbuf):
                j = i * nbuf + b
                pltpu.make_async_copy(y_hbm.at[src_v.at[j]], bufs[b],
                                      sems[b]).wait()
                pltpu.sync_copy(bufs[b], z_sh.at[dst_v.at[j]], add=True)
                pltpu.async_copy(y_hbm.at[src_v.at[j + nbuf]], bufs[b],
                                 sems[b])
            return 0

        lax.fori_loop(0, kb - 1, body, 0)
        for b in range(nbuf):
            j = (kb - 1) * nbuf + b
            pltpu.make_async_copy(y_hbm.at[src_v.at[j]], bufs[b],
                                  sems[b]).wait()
            pltpu.sync_copy(bufs[b], z_sh.at[dst_v.at[j]], add=True)
        plsc.subcore_barrier()
        pltpu.sync_copy(z_sh.at[pl.ds(base, rows_per_tile)],
                        out_hbm.at[c, pl.ds(base, rows_per_tile)])

    return agg_kernel


def _tc_pre(x, w1, dp0, dp1, n, d, br):

    def body(x_ref, w_ref, d0_ref, d1_ref, dis_ref, y_ref):
        deg = d0_ref[...] + d1_ref[...] + 1.0
        dis = lax.rsqrt(deg)
        dis_ref[...] = dis
        xw = lax.dot_general(x_ref[...], w_ref[...], (((1,), (1,)), ((), ())),
                             preferred_element_type=jnp.float32)
        y_ref[...] = xw * dis

    return pl.pallas_call(
        body,
        grid=(n // br,),
        in_specs=[
            pl.BlockSpec((br, d), lambda i: (i, 0)),
            pl.BlockSpec((d, d), lambda i: (0, 0)),
            pl.BlockSpec((br, 1), lambda i: (i, 0)),
            pl.BlockSpec((br, 1), lambda i: (i, 0)),
        ],
        out_specs=[
            pl.BlockSpec((br, 1), lambda i: (i, 0)),
            pl.BlockSpec((br, d), lambda i: (i, 0)),
        ],
        out_shape=[
            jax.ShapeDtypeStruct((n, 1), jnp.float32),
            jax.ShapeDtypeStruct((n, d), jnp.float32),
        ],
    )(x, w1, dp0, dp1)


def _tc_mid(zp0, zp1, y1, dis, b1, a1, w2, n, d, br):

    def body(z0_ref, z1_ref, y_ref, dis_ref, b_ref, a_ref, w_ref, y2_ref):
        dis = dis_ref[...]
        z = jnp.concatenate([z0_ref[...], z1_ref[...]], axis=1)
        t = (z + y_ref[...]) * dis + b_ref[...]
        h = jnp.where(t >= 0.0, t, a_ref[0, 0] * t)
        hw = lax.dot_general(h, w_ref[...], (((1,), (1,)), ((), ())),
                             preferred_element_type=jnp.float32)
        y2_ref[...] = hw * dis

    return pl.pallas_call(
        body,
        grid=(n // br,),
        in_specs=[
            pl.BlockSpec((br, d // 2), lambda i: (i, 0)),
            pl.BlockSpec((br, d // 2), lambda i: (i, 0)),
            pl.BlockSpec((br, d), lambda i: (i, 0)),
            pl.BlockSpec((br, 1), lambda i: (i, 0)),
            pl.BlockSpec((1, d), lambda i: (0, 0)),
            pl.BlockSpec((1, 1), lambda i: (0, 0)),
            pl.BlockSpec((d, d), lambda i: (0, 0)),
        ],
        out_specs=pl.BlockSpec((br, d), lambda i: (i, 0)),
        out_shape=jax.ShapeDtypeStruct((n, d), jnp.float32),
    )(zp0, zp1, y1, dis, b1, a1, w2)


def _tc_post(zp0, zp1, y2, dis, b2, a2, n, d, br):

    def body(z0_ref, z1_ref, y_ref, dis_ref, b_ref, a_ref, o_ref):
        z = jnp.concatenate([z0_ref[...], z1_ref[...]], axis=1)
        t = (z + y_ref[...]) * dis_ref[...] + b_ref[...]
        o_ref[...] = jnp.where(t >= 0.0, t, a_ref[0, 0] * t)

    return pl.pallas_call(
        body,
        grid=(n // br,),
        in_specs=[
            pl.BlockSpec((br, d // 2), lambda i: (i, 0)),
            pl.BlockSpec((br, d // 2), lambda i: (i, 0)),
            pl.BlockSpec((br, d), lambda i: (i, 0)),
            pl.BlockSpec((br, 1), lambda i: (i, 0)),
            pl.BlockSpec((1, d), lambda i: (0, 0)),
            pl.BlockSpec((1, 1), lambda i: (0, 0)),
        ],
        out_specs=pl.BlockSpec((br, d), lambda i: (i, 0)),
        out_shape=jax.ShapeDtypeStruct((n, d), jnp.float32),
    )(zp0, zp1, y2, dis, b2, a2)


def kernel(x, adj, W1, b1, alpha1, W2, b2, alpha2):
    n, d = x.shape
    e = adj.shape[1]
    info = plsc.get_sparse_core_info()
    nc, ns = info.num_cores, info.num_subcores
    nw = nc * ns

    per_tile = -(-e // nw)
    k_chunks = -(-(-(-per_tile // _L)) // _IB) * _IB
    e_pad = nw * k_chunks * _L
    rows_per_tile = -(-(n + 1) // (ns * 8)) * 8
    n_pad = rows_per_tile * ns

    src = jnp.concatenate(
        [adj[0], jnp.zeros((e_pad - e,), adj.dtype)]).reshape(nw, k_chunks, _L)
    dst = jnp.concatenate(
        [adj[1], jnp.full((e_pad - e,), n, adj.dtype)]).reshape(nw, k_chunks, _L)

    deg_zeros = jnp.zeros((rows_per_tile, _DEGW), jnp.float32)
    deg_ones = jnp.ones((_L, _DEGW), jnp.float32)
    degp = _make_deg_kernel(n_pad, k_chunks, rows_per_tile, nc, ns)(
        dst, deg_zeros, deg_ones)
    dp0 = degp[0, :n, 0:1]
    dp1 = degp[1, :n, 0:1]

    br = 1000 if n % 1000 == 0 else 8
    b1r = b1.reshape(1, d)
    b2r = b2.reshape(1, d)
    a1r = alpha1.reshape(1, 1)
    a2r = alpha2.reshape(1, 1)

    dh = d // nc
    per16 = -(-e // ns)
    k16 = -(-(-(-per16 // _L)) // 4) * 4
    e16 = ns * k16 * _L
    src16 = jnp.concatenate([adj[0], jnp.zeros((e16 - e,), adj.dtype)])
    dst16 = jnp.concatenate([adj[1], jnp.full((e16 - e,), n, adj.dtype)])
    srcp = jnp.stack([nc * src16 + c for c in range(nc)]
                     ).reshape(nc, ns, k16, _L)
    dstp = dst16.reshape(ns, k16, _L)

    agg = _make_agg_kernel(n_pad, dh, k16, rows_per_tile, nc, ns)
    agg_zeros = jnp.zeros((rows_per_tile, dh), jnp.float32)

    dis, y1 = _tc_pre(x, W1, dp0, dp1, n, d, br)
    z1 = agg(y1.reshape(nc * n, dh), srcp, dstp, agg_zeros)
    y2 = _tc_mid(z1[0, :n], z1[1, :n], y1, dis, b1r, a1r, W2, n, d, br)

    z2 = agg(y2.reshape(nc * n, dh), srcp, dstp, agg_zeros)
    return _tc_post(z2[0, :n], z2[1, :n], y2, dis, b2r, a2r, n, d, br)

# --- scband reference (transcript-rebuilt; emitter-appended) ---
"""Pipeline reference for scband-gcn-50431505990094 (READ-ONLY COPY).

The authoritative reference and input builder live on the scoring server;
editing this copy changes nothing except your own understanding.
"""

import jax, jax.numpy as jnp
import numpy as np

N = 10000
E = 320000
D = 128


def setup_inputs(seed: int = 0) -> dict:
    key = jax.random.key(seed)
    ks = jax.random.split(key, 8)
    x = jax.random.normal(ks[0], (N, D), dtype=jnp.float32)
    adj = jax.random.randint(ks[1], (2, E), 0, N, dtype=jnp.int32)
    # GCNConv layer 1 params (PyG lin weight layout: [out_dim, in_dim])
    W1 = jax.random.normal(ks[2], (D, D), dtype=jnp.float32) / np.sqrt(D)
    b1 = jnp.zeros((D,), dtype=jnp.float32)
    alpha1 = jnp.full((1,), 0.25, dtype=jnp.float32)  # PReLU slope
    # GCNConv layer 2 params
    W2 = jax.random.normal(ks[3], (D, D), dtype=jnp.float32) / np.sqrt(D)
    b2 = jnp.zeros((D,), dtype=jnp.float32)
    alpha2 = jnp.full((1,), 0.25, dtype=jnp.float32)
    return {"x": x, "adj": adj, "W1": W1, "b1": b1, "alpha1": alpha1,
            "W2": W2, "b2": b2, "alpha2": alpha2}


def _gcn_conv(x, adj, W, b):
    # GCNConv: add self-loops, symmetric normalization, linear transform, sum-aggregate
    loops = jnp.arange(N, dtype=adj.dtype)
    src = jnp.concatenate([adj[0], loops])
    dst = jnp.concatenate([adj[1], loops])
    xw = x @ W.T
    ones = jnp.ones(src.shape[0], dtype=jnp.float32)
    deg = jax.ops.segment_sum(ones, dst, num_segments=N)
    dis = jnp.where(deg > 0, jax.lax.rsqrt(jnp.maximum(deg, 1e-12)), 0.0)
    norm = dis[src] * dis[dst]
    msg = xw[src] * norm[:, None]
    out = jax.ops.segment_sum(msg, dst, num_segments=N)
    return out + b


def _prelu(x, alpha):
    return jnp.where(x >= 0, x, alpha * x)


def reference(x, adj, W1, b1, alpha1, W2, b2, alpha2):
    h = _prelu(_gcn_conv(x, adj, W1, b1), alpha1)
    h = _prelu(_gcn_conv(h, adj, W2, b2), alpha2)
    return h

if __name__ == "__main__":
    import jax
    _d = setup_inputs()
    print(jax.jit(kernel)(*tuple(_d.values())))

</pallas_src>

<mosaic_0001>
#map = affine_map<(d0, d1) -> (0, 0)>
#map1 = affine_map<(d0, d1) -> (0, 0, 0, 0)>
#map2 = affine_map<(d0, d1) -> (0, 0, 0)>
module attributes {stable_mosaic.version = 14 : i64} {
  func.func @agg_kernel(%arg0: i32, %arg1: i32, %arg2: memref<20000x64xf32, #tpu.memory_space<hbm>>, %arg3: memref<2x16x160x128xi32, #tpu.memory_space<hbm>>, %arg4: memref<16x160x128xi32, #tpu.memory_space<hbm>>, %arg5: memref<632x64xf32, #tpu.memory_space<hbm>>, %arg6: memref<2x10112x64xf32, #tpu.memory_space<hbm>>, %arg7: memref<160x128xi32, #tpu.memory_space<vmem>>, %arg8: memref<160x128xi32, #tpu.memory_space<vmem>>, %arg9: memref<128x64xf32, #tpu.memory_space<vmem>>, %arg10: memref<128x64xf32, #tpu.memory_space<vmem>>, %arg11: memref<128x64xf32, #tpu.memory_space<vmem>>, %arg12: memref<128x64xf32, #tpu.memory_space<vmem>>, %arg13: memref<10112x64xf32, #tpu.memory_space<vmem_shared>>, %arg14: memref<!tpu.dma_semaphore, #tpu.memory_space<semaphore_mem>>, %arg15: memref<!tpu.dma_semaphore, #tpu.memory_space<semaphore_mem>>, %arg16: memref<!tpu.dma_semaphore, #tpu.memory_space<semaphore_mem>>, %arg17: memref<!tpu.dma_semaphore, #tpu.memory_space<semaphore_mem>>) attributes {dimension_semantics = [#tpu.dimension_semantics<core_parallel>, #tpu.dimension_semantics<subcore_parallel>], iteration_bounds = array<i64: 2, 16>, scalar_prefetch = 0 : i64, scratch_operands = 11 : i64, tpu.core_type = #tpu.core_type<sc_vector_subcore>, window_params = [{transform_indices = #map}, {transform_indices = #map1}, {transform_indices = #map2}, {transform_indices = #map}, {transform_indices = #map2}]} {
    "tpu.region"() ({
      %run_scoped3A_65 = tpu.sem_alloc : memref<!tpu.dma_semaphore, #tpu.memory_space<semaphore_mem>>
      %dma_start3A_66 = arith.constant 0 : i32
      %dma_start3A_67 = arith.constant 0 : i32
      %dma_start3A_68 = tpu.memref_slice %arg3[%arg0, %arg1, %dma_start3A_66, %dma_start3A_67] : memref<2x16x160x128xi32, #tpu.memory_space<hbm>> -> memref<1x1x160x128xi32, #tpu.memory_space<hbm>>
      %dma_start3A_69 = tpu.memref_squeeze %dma_start3A_68 : memref<1x1x160x128xi32, #tpu.memory_space<hbm>> -> memref<160x128xi32, #tpu.memory_space<hbm>>
      %dma_start3A_70 = arith.constant 0 : i32
      %dma_start3A_71 = arith.constant 0 : i32
      %dma_start3A_72 = tpu.memref_slice %arg3[%arg0, %arg1, %dma_start3A_70, %dma_start3A_71] : memref<2x16x160x128xi32, #tpu.memory_space<hbm>> -> memref<1x1x160x128xi32, #tpu.memory_space<hbm>>
      %dma_start3A_73 = tpu.memref_squeeze %dma_start3A_72 : memref<1x1x160x128xi32, #tpu.memory_space<hbm>> -> memref<160x128xi32, #tpu.memory_space<hbm>>
      tpu.enqueue_dma source(%dma_start3A_73 : memref<160x128xi32, #tpu.memory_space<hbm>>) target(%arg7 : memref<160x128xi32, #tpu.memory_space<vmem>>) target_semaphore(%run_scoped3A_65 : memref<!tpu.dma_semaphore, #tpu.memory_space<semaphore_mem>>)
      %dma_wait3A_74 = arith.constant 0 : i32
      %dma_wait3A_75 = arith.constant 0 : i32
      %dma_wait3A_76 = tpu.memref_slice %arg3[%arg0, %arg1, %dma_wait3A_74, %dma_wait3A_75] : memref<2x16x160x128xi32, #tpu.memory_space<hbm>> -> memref<1x1x160x128xi32, #tpu.memory_space<hbm>>
      %dma_wait3A_77 = tpu.memref_squeeze %dma_wait3A_76 : memref<1x1x160x128xi32, #tpu.memory_space<hbm>> -> memref<160x128xi32, #tpu.memory_space<hbm>>
      %dma_wait3A_78 = arith.constant 0 : i32
      %dma_wait3A_79 = arith.constant 0 : i32
      %dma_wait3A_80 = tpu.memref_slice %arg3[%arg0, %arg1, %dma_wait3A_78, %dma_wait3A_79] : memref<2x16x160x128xi32, #tpu.memory_space<hbm>> -> memref<1x1x160x128xi32, #tpu.memory_space<hbm>>
      %dma_wait3A_81 = tpu.memref_squeeze %dma_wait3A_80 : memref<1x1x160x128xi32, #tpu.memory_space<hbm>> -> memref<160x128xi32, #tpu.memory_space<hbm>>
      tpu.wait_dma2 semaphore(%run_scoped3A_65 : memref<!tpu.dma_semaphore, #tpu.memory_space<semaphore_mem>>) src(%dma_wait3A_81 : memref<160x128xi32, #tpu.memory_space<hbm>>) dst(%arg7 : memref<160x128xi32, #tpu.memory_space<vmem>>)
      tpu.yield
    }) : () -> ()
    "tpu.region"() ({
      %run_scoped3A_65 = tpu.sem_alloc : memref<!tpu.dma_semaphore, #tpu.memory_space<semaphore_mem>>
      %dma_start3A_66 = arith.constant 0 : i32
      %dma_start3A_67 = arith.constant 0 : i32
      %dma_start3A_68 = tpu.memref_slice %arg4[%arg1, %dma_start3A_66, %dma_start3A_67] : memref<16x160x128xi32, #tpu.memory_space<hbm>> -> memref<1x160x128xi32, #tpu.memory_space<hbm>>
      %dma_start3A_69 = tpu.memref_squeeze %dma_start3A_68 : memref<1x160x128xi32, #tpu.memory_space<hbm>> -> memref<160x128xi32, #tpu.memory_space<hbm>>
      %dma_start3A_70 = arith.constant 0 : i32
      %dma_start3A_71 = arith.constant 0 : i32
      %dma_start3A_72 = tpu.memref_slice %arg4[%arg1, %dma_start3A_70, %dma_start3A_71] : memref<16x160x128xi32, #tpu.memory_space<hbm>> -> memref<1x160x128xi32, #tpu.memory_space<hbm>>
      %dma_start3A_73 = tpu.memref_squeeze %dma_start3A_72 : memref<1x160x128xi32, #tpu.memory_space<hbm>> -> memref<160x128xi32, #tpu.memory_space<hbm>>
      tpu.enqueue_dma source(%dma_start3A_73 : memref<160x128xi32, #tpu.memory_space<hbm>>) target(%arg8 : memref<160x128xi32, #tpu.memory_space<vmem>>) target_semaphore(%run_scoped3A_65 : memref<!tpu.dma_semaphore, #tpu.memory_space<semaphore_mem>>)
      %dma_wait3A_74 = arith.constant 0 : i32
      %dma_wait3A_75 = arith.constant 0 : i32
      %dma_wait3A_76 = tpu.memref_slice %arg4[%arg1, %dma_wait3A_74, %dma_wait3A_75] : memref<16x160x128xi32, #tpu.memory_space<hbm>> -> memref<1x160x128xi32, #tpu.memory_space<hbm>>
      %dma_wait3A_77 = tpu.memref_squeeze %dma_wait3A_76 : memref<1x160x128xi32, #tpu.memory_space<hbm>> -> memref<160x128xi32, #tpu.memory_space<hbm>>
      %dma_wait3A_78 = arith.constant 0 : i32
      %dma_wait3A_79 = arith.constant 0 : i32
      %dma_wait3A_80 = tpu.memref_slice %arg4[%arg1, %dma_wait3A_78, %dma_wait3A_79] : memref<16x160x128xi32, #tpu.memory_space<hbm>> -> memref<1x160x128xi32, #tpu.memory_space<hbm>>
      %dma_wait3A_81 = tpu.memref_squeeze %dma_wait3A_80 : memref<1x160x128xi32, #tpu.memory_space<hbm>> -> memref<160x128xi32, #tpu.memory_space<hbm>>
      tpu.wait_dma2 semaphore(%run_scoped3A_65 : memref<!tpu.dma_semaphore, #tpu.memory_space<semaphore_mem>>) src(%dma_wait3A_81 : memref<160x128xi32, #tpu.memory_space<hbm>>) dst(%arg8 : memref<160x128xi32, #tpu.memory_space<vmem>>)
      tpu.yield
    }) : () -> ()
    %mul3A = arith.constant 632 : i32
    %mul3A_0 = arith.muli %arg1, %mul3A : i32
    "tpu.region"() ({
      %run_scoped3A_65 = tpu.sem_alloc : memref<!tpu.dma_semaphore, #tpu.memory_space<semaphore_mem>>
      %dma_start3A_66 = arith.constant 0 : i32
      %dma_start3A_67 = tpu.memref_slice %arg13[%mul3A_0, %dma_start3A_66] : memref<10112x64xf32, #tpu.memory_space<vmem_shared>> -> memref<632x64xf32, #tpu.memory_space<vmem_shared>>
      tpu.enqueue_dma source(%arg5 : memref<632x64xf32, #tpu.memory_space<hbm>>) target(%dma_start3A_67 : memref<632x64xf32, #tpu.memory_space<vmem_shared>>) target_semaphore(%run_scoped3A_65 : memref<!tpu.dma_semaphore, #tpu.memory_space<semaphore_mem>>)
      %dma_wait3A_68 = arith.constant 0 : i32
      %dma_wait3A_69 = tpu.memref_slice %arg13[%mul3A_0, %dma_wait3A_68] : memref<10112x64xf32, #tpu.memory_space<vmem_shared>> -> memref<632x64xf32, #tpu.memory_space<vmem_shared>>
      tpu.wait_dma2 semaphore(%run_scoped3A_65 : memref<!tpu.dma_semaphore, #tpu.memory_space<semaphore_mem>>) src(%arg5 : memref<632x64xf32, #tpu.memory_space<hbm>>) dst(%dma_wait3A_69 : memref<632x64xf32, #tpu.memory_space<vmem_shared>>)
      tpu.yield
    }) : () -> ()
    %barrier3A = arith.constant 0 : index
    tpu.barrier barrier_id(%barrier3A)
    %dma_start3A = arith.constant 0 : i32
    %dma_start3A_1 = arith.constant 0 : i32
    %dma_start3A_2 = tpu.memref_slice %arg7[%dma_start3A, %dma_start3A_1] : memref<160x128xi32, #tpu.memory_space<vmem>> -> memref<1x128xi32, #tpu.memory_space<vmem>>
    %dma_start3A_3 = tpu.memref_squeeze %dma_start3A_2 : memref<1x128xi32, #tpu.memory_space<vmem>> -> memref<128xi32, #tpu.memory_space<vmem>>
    %dma_start3A_4 = arith.constant 0 : i32
    %dma_start3A_5 = arith.constant 0 : i32
    %dma_start3A_6 = tpu.memref_slice %arg2[%dma_start3A_4, %dma_start3A_5] : memref<20000x64xf32, #tpu.memory_space<hbm>> -> memref<20000x64xf32, #tpu.memory_space<hbm>>
    tpu.enqueue_indirect_dma source(%dma_start3A_6 : memref<20000x64xf32, #tpu.memory_space<hbm>>) target(%arg9 : memref<128x64xf32, #tpu.memory_space<vmem>>) offsets(%dma_start3A_3 : memref<128xi32, #tpu.memory_space<vmem>>) semaphore(%arg14 : memref<!tpu.dma_semaphore, #tpu.memory_space<semaphore_mem>>)
    %dma_start3A_7 = arith.constant 1 : i32
    %dma_start3A_8 = arith.constant 0 : i32
    %dma_start3A_9 = tpu.memref_slice %arg7[%dma_start3A_7, %dma_start3A_8] : memref<160x128xi32, #tpu.memory_space<vmem>> -> memref<1x128xi32, #tpu.memory_space<vmem>>
    %dma_start3A_10 = tpu.memref_squeeze %dma_start3A_9 : memref<1x128xi32, #tpu.memory_space<vmem>> -> memref<128xi32, #tpu.memory_space<vmem>>
    %dma_start3A_11 = arith.constant 0 : i32
    %dma_start3A_12 = arith.constant 0 : i32
    %dma_start3A_13 = tpu.memref_slice %arg2[%dma_start3A_11, %dma_start3A_12] : memref<20000x64xf32, #tpu.memory_space<hbm>> -> memref<20000x64xf32, #tpu.memory_space<hbm>>
    tpu.enqueue_indirect_dma source(%dma_start3A_13 : memref<20000x64xf32, #tpu.memory_space<hbm>>) target(%arg10 : memref<128x64xf32, #tpu.memory_space<vmem>>) offsets(%dma_start3A_10 : memref<128xi32, #tpu.memory_space<vmem>>) semaphore(%arg15 : memref<!tpu.dma_semaphore, #tpu.memory_space<semaphore_mem>>)
    %dma_start3A_14 = arith.constant 2 : i32
    %dma_start3A_15 = arith.constant 0 : i32
    %dma_start3A_16 = tpu.memref_slice %arg7[%dma_start3A_14, %dma_start3A_15] : memref<160x128xi32, #tpu.memory_space<vmem>> -> memref<1x128xi32, #tpu.memory_space<vmem>>
    %dma_start3A_17 = tpu.memref_squeeze %dma_start3A_16 : memref<1x128xi32, #tpu.memory_space<vmem>> -> memref<128xi32, #tpu.memory_space<vmem>>
    %dma_start3A_18 = arith.constant 0 : i32
    %dma_start3A_19 = arith.constant 0 : i32
    %dma_start3A_20 = tpu.memref_slice %arg2[%dma_start3A_18, %dma_start3A_19] : memref<20000x64xf32, #tpu.memory_space<hbm>> -> memref<20000x64xf32, #tpu.memory_space<hbm>>
    tpu.enqueue_indirect_dma source(%dma_start3A_20 : memref<20000x64xf32, #tpu.memory_space<hbm>>) target(%arg11 : memref<128x64xf32, #tpu.memory_space<vmem>>) offsets(%dma_start3A_17 : memref<128xi32, #tpu.memory_space<vmem>>) semaphore(%arg16 : memref<!tpu.dma_semaphore, #tpu.memory_space<semaphore_mem>>)
    %dma_start3A_21 = arith.constant 3 : i32
    %dma_start3A_22 = arith.constant 0 : i32
    %dma_start3A_23 = tpu.memref_slice %arg7[%dma_start3A_21, %dma_start3A_22] : memref<160x128xi32, #tpu.memory_space<vmem>> -> memref<1x128xi32, #tpu.memory_space<vmem>>
    %dma_start3A_24 = tpu.memref_squeeze %dma_start3A_23 : memref<1x128xi32, #tpu.memory_space<vmem>> -> memref<128xi32, #tpu.memory_space<vmem>>
    %dma_start3A_25 = arith.constant 0 : i32
    %dma_start3A_26 = arith.constant 0 : i32
    %dma_start3A_27 = tpu.memref_slice %arg2[%dma_start3A_25, %dma_start3A_26] : memref<20000x64xf32, #tpu.memory_space<hbm>> -> memref<20000x64xf32, #tpu.memory_space<hbm>>
    tpu.enqueue_indirect_dma source(%dma_start3A_27 : memref<20000x64xf32, #tpu.memory_space<hbm>>) target(%arg12 : memref<128x64xf32, #tpu.memory_space<vmem>>) offsets(%dma_start3A_24 : memref<128xi32, #tpu.memory_space<vmem>>) semaphore(%arg17 : memref<!tpu.dma_semaphore, #tpu.memory_space<semaphore_mem>>)
    %scan3A = arith.constant 0 : i32
    %scan3A_28 = arith.constant 0 : i32
    %scan3A_29 = arith.constant 39 : i32
    %scan3A_30 = arith.addi %scan3A_28, %scan3A_29 : i32
    %scan3A_31 = arith.constant 1 : i32
    %scan3A_32 = scf.for %scan3A_65 = %scan3A_28 to %scan3A_30 step %scan3A_31 iter_args(%scan3A_66 = %scan3A) -> (i32)  : i32 {
      %mul3A_67 = arith.constant 4 : i32
      %mul3A_68 = arith.muli %scan3A_65, %mul3A_67 : i32
      %add3A = arith.constant 0 : i32
      %add3A_69 = arith.addi %mul3A_68, %add3A : i32
      %dma_wait3A_70 = arith.constant 0 : i32
      %dma_wait3A_71 = tpu.memref_slice %arg7[%add3A_69, %dma_wait3A_70] : memref<160x128xi32, #tpu.memory_space<vmem>> -> memref<1x128xi32, #tpu.memory_space<vmem>>
      %dma_wait3A_72 = tpu.memref_squeeze %dma_wait3A_71 : memref<1x128xi32, #tpu.memory_space<vmem>> -> memref<128xi32, #tpu.memory_space<vmem>>
      %dma_wait3A_73 = arith.constant 0 : i32
      %dma_wait3A_74 = arith.constant 0 : i32
      %dma_wait3A_75 = tpu.memref_slice %arg2[%dma_wait3A_73, %dma_wait3A_74] : memref<20000x64xf32, #tpu.memory_space<hbm>> -> memref<20000x64xf32, #tpu.memory_space<hbm>>
      tpu.wait_indirect_dma semaphore(%arg14 : memref<!tpu.dma_semaphore, #tpu.memory_space<semaphore_mem>>) src(%dma_wait3A_75 : memref<20000x64xf32, #tpu.memory_space<hbm>>) dst(%arg9 : memref<128x64xf32, #tpu.memory_space<vmem>>)
      "tpu.region"() ({
        %run_scoped3A_139 = tpu.sem_alloc : memref<!tpu.dma_semaphore, #tpu.memory_space<semaphore_mem>>
        %dma_start3A_140 = arith.constant 0 : i32
        %dma_start3A_141 = tpu.memref_slice %arg8[%add3A_69, %dma_start3A_140] : memref<160x128xi32, #tpu.memory_space<vmem>> -> memref<1x128xi32, #tpu.memory_space<vmem>>
        %dma_start3A_142 = tpu.memref_squeeze %dma_start3A_141 : memref<1x128xi32, #tpu.memory_space<vmem>> -> memref<128xi32, #tpu.memory_space<vmem>>
        %dma_start3A_143 = arith.constant 0 : i32
        %dma_start3A_144 = arith.constant 0 : i32
        %dma_start3A_145 = tpu.memref_slice %arg13[%dma_start3A_143, %dma_start3A_144] : memref<10112x64xf32, #tpu.memory_space<vmem_shared>> -> memref<10112x64xf32, #tpu.memory_space<vmem_shared>>
        tpu.enqueue_indirect_dma source(%arg9 : memref<128x64xf32, #tpu.memory_space<vmem>>) target(%dma_start3A_145 : memref<10112x64xf32, #tpu.memory_space<vmem_shared>>) offsets(%dma_start3A_142 : memref<128xi32, #tpu.memory_space<vmem>>) semaphore(%run_scoped3A_139 : memref<!tpu.dma_semaphore, #tpu.memory_space<semaphore_mem>>) {add = true}
        %dma_wait3A_146 = arith.constant 0 : i32
        %dma_wait3A_147 = tpu.memref_slice %arg8[%add3A_69, %dma_wait3A_146] : memref<160x128xi32, #tpu.memory_space<vmem>> -> memref<1x128xi32, #tpu.memory_space<vmem>>
        %dma_wait3A_148 = tpu.memref_squeeze %dma_wait3A_147 : memref<1x128xi32, #tpu.memory_space<vmem>> -> memref<128xi32, #tpu.memory_space<vmem>>
        %dma_wait3A_149 = arith.constant 0 : i32
        %dma_wait3A_150 = arith.constant 0 : i32
        %dma_wait3A_151 = tpu.memref_slice %arg13[%dma_wait3A_149, %dma_wait3A_150] : memref<10112x64xf32, #tpu.memory_space<vmem_shared>> -> memref<10112x64xf32, #tpu.memory_space<vmem_shared>>
        tpu.wait_indirect_dma semaphore(%run_scoped3A_139 : memref<!tpu.dma_semaphore, #tpu.memory_space<semaphore_mem>>) src(%arg9 : memref<128x64xf32, #tpu.memory_space<vmem>>) dst(%dma_wait3A_151 : memref<10112x64xf32, #tpu.memory_space<vmem_shared>>)
        tpu.yield
      }) : () -> ()
      %add3A_76 = arith.constant 4 : i32
      %add3A_77 = arith.addi %add3A_69, %add3A_76 : i32
      %dma_start3A_78 = arith.constant 0 : i32
      %dma_start3A_79 = tpu.memref_slice %arg7[%add3A_77, %dma_start3A_78] : memref<160x128xi32, #tpu.memory_space<vmem>> -> memref<1x128xi32, #tpu.memory_space<vmem>>
      %dma_start3A_80 = tpu.memref_squeeze %dma_start3A_79 : memref<1x128xi32, #tpu.memory_space<vmem>> -> memref<128xi32, #tpu.memory_space<vmem>>
      %dma_start3A_81 = arith.constant 0 : i32
      %dma_start3A_82 = arith.constant 0 : i32
      %dma_start3A_83 = tpu.memref_slice %arg2[%dma_start3A_81, %dma_start3A_82] : memref<20000x64xf32, #tpu.memory_space<hbm>> -> memref<20000x64xf32, #tpu.memory_space<hbm>>
      tpu.enqueue_indirect_dma source(%dma_start3A_83 : memref<20000x64xf32, #tpu.memory_space<hbm>>) target(%arg9 : memref<128x64xf32, #tpu.memory_space<vmem>>) offsets(%dma_start3A_80 : memref<128xi32, #tpu.memory_space<vmem>>) semaphore(%arg14 : memref<!tpu.dma_semaphore, #tpu.memory_space<semaphore_mem>>)
      %mul3A_84 = arith.constant 4 : i32
      %mul3A_85 = arith.muli %scan3A_65, %mul3A_84 : i32
      %add3A_86 = arith.constant 1 : i32
      %add3A_87 = arith.addi %mul3A_85, %add3A_86 : i32
      %dma_wait3A_88 = arith.constant 0 : i32
      %dma_wait3A_89 = tpu.memref_slice %arg7[%add3A_87, %dma_wait3A_88] : memref<160x128xi32, #tpu.memory_space<vmem>> -> memref<1x128xi32, #tpu.memory_space<vmem>>
      %dma_wait3A_90 = tpu.memref_squeeze %dma_wait3A_89 : memref<1x128xi32, #tpu.memory_space<vmem>> -> memref<128xi32, #tpu.memory_space<vmem>>
      %dma_wait3A_91 = arith.constant 0 : i32
      %dma_wait3A_92 = arith.constant 0 : i32
      %dma_wait3A_93 = tpu.memref_slice %arg2[%dma_wait3A_91, %dma_wait3A_92] : memref<20000x64xf32, #tpu.memory_space<hbm>> -> memref<20000x64xf32, #tpu.memory_space<hbm>>
      tpu.wait_indirect_dma semaphore(%arg15 : memref<!tpu.dma_semaphore, #tpu.memory_space<semaphore_mem>>) src(%dma_wait3A_93 : memref<20000x64xf32, #tpu.memory_space<hbm>>) dst(%arg10 : memref<128x64xf32, #tpu.memory_space<vmem>>)
      "tpu.region"() ({
        %run_scoped3A_139 = tpu.sem_alloc : memref<!tpu.dma_semaphore, #tpu.memory_space<semaphore_mem>>
        %dma_start3A_140 = arith.constant 0 : i32
        %dma_start3A_141 = tpu.memref_slice %arg8[%add3A_87, %dma_start3A_140] : memref<160x128xi32, #tpu.memory_space<vmem>> -> memref<1x128xi32, #tpu.memory_space<vmem>>
        %dma_start3A_142 = tpu.memref_squeeze %dma_start3A_141 : memref<1x128xi32, #tpu.memory_space<vmem>> -> memref<128xi32, #tpu.memory_space<vmem>>
        %dma_start3A_143 = arith.constant 0 : i32
        %dma_start3A_144 = arith.constant 0 : i32
        %dma_start3A_145 = tpu.memref_slice %arg13[%dma_start3A_143, %dma_start3A_144] : memref<10112x64xf32, #tpu.memory_space<vmem_shared>> -> memref<10112x64xf32, #tpu.memory_space<vmem_shared>>
        tpu.enqueue_indirect_dma source(%arg10 : memref<128x64xf32, #tpu.memory_space<vmem>>) target(%dma_start3A_145 : memref<10112x64xf32, #tpu.memory_space<vmem_shared>>) offsets(%dma_start3A_142 : memref<128xi32, #tpu.memory_space<vmem>>) semaphore(%run_scoped3A_139 : memref<!tpu.dma_semaphore, #tpu.memory_space<semaphore_mem>>) {add = true}
        %dma_wait3A_146 = arith.constant 0 : i32
        %dma_wait3A_147 = tpu.memref_slice %arg8[%add3A_87, %dma_wait3A_146] : memref<160x128xi32, #tpu.memory_space<vmem>> -> memref<1x128xi32, #tpu.memory_space<vmem>>
        %dma_wait3A_148 = tpu.memref_squeeze %dma_wait3A_147 : memref<1x128xi32, #tpu.memory_space<vmem>> -> memref<128xi32, #tpu.memory_space<vmem>>
        %dma_wait3A_149 = arith.constant 0 : i32
        %dma_wait3A_150 = arith.constant 0 : i32
        %dma_wait3A_151 = tpu.memref_slice %arg13[%dma_wait3A_149, %dma_wait3A_150] : memref<10112x64xf32, #tpu.memory_space<vmem_shared>> -> memref<10112x64xf32, #tpu.memory_space<vmem_shared>>
        tpu.wait_indirect_dma semaphore(%run_scoped3A_139 : memref<!tpu.dma_semaphore, #tpu.memory_space<semaphore_mem>>) src(%arg10 : memref<128x64xf32, #tpu.memory_space<vmem>>) dst(%dma_wait3A_151 : memref<10112x64xf32, #tpu.memory_space<vmem_shared>>)
        tpu.yield
      }) : () -> ()
      %add3A_94 = arith.constant 4 : i32
      %add3A_95 = arith.addi %add3A_87, %add3A_94 : i32
      %dma_start3A_96 = arith.constant 0 : i32
      %dma_start3A_97 = tpu.memref_slice %arg7[%add3A_95, %dma_start3A_96] : memref<160x128xi32, #tpu.memory_space<vmem>> -> memref<1x128xi32, #tpu.memory_space<vmem>>
      %dma_start3A_98 = tpu.memref_squeeze %dma_start3A_97 : memref<1x128xi32, #tpu.memory_space<vmem>> -> memref<128xi32, #tpu.memory_space<vmem>>
      %dma_start3A_99 = arith.constant 0 : i32
      %dma_start3A_100 = arith.constant 0 : i32
      %dma_start3A_101 = tpu.memref_slice %arg2[%dma_start3A_99, %dma_start3A_100] : memref<20000x64xf32, #tpu.memory_space<hbm>> -> memref<20000x64xf32, #tpu.memory_space<hbm>>
      tpu.enqueue_indirect_dma source(%dma_start3A_101 : memref<20000x64xf32, #tpu.memory_space<hbm>>) target(%arg10 : memref<128x64xf32, #tpu.memory_space<vmem>>) offsets(%dma_start3A_98 : memref<128xi32, #tpu.memory_space<vmem>>) semaphore(%arg15 : memref<!tpu.dma_semaphore, #tpu.memory_space<semaphore_mem>>)
      %mul3A_102 = arith.constant 4 : i32
      %mul3A_103 = arith.muli %scan3A_65, %mul3A_102 : i32
      %add3A_104 = arith.constant 2 : i32
      %add3A_105 = arith.addi %mul3A_103, %add3A_104 : i32
      %dma_wait3A_106 = arith.constant 0 : i32
      %dma_wait3A_107 = tpu.memref_slice %arg7[%add3A_105, %dma_wait3A_106] : memref<160x128xi32, #tpu.memory_space<vmem>> -> memref<1x128xi32, #tpu.memory_space<vmem>>
      %dma_wait3A_108 = tpu.memref_squeeze %dma_wait3A_107 : memref<1x128xi32, #tpu.memory_space<vmem>> -> memref<128xi32, #tpu.memory_space<vmem>>
      %dma_wait3A_109 = arith.constant 0 : i32
      %dma_wait3A_110 = arith.constant 0 : i32
      %dma_wait3A_111 = tpu.memref_slice %arg2[%dma_wait3A_109, %dma_wait3A_110] : memref<20000x64xf32, #tpu.memory_space<hbm>> -> memref<20000x64xf32, #tpu.memory_space<hbm>>
      tpu.wait_indirect_dma semaphore(%arg16 : memref<!tpu.dma_semaphore, #tpu.memory_space<semaphore_mem>>) src(%dma_wait3A_111 : memref<20000x64xf32, #tpu.memory_space<hbm>>) dst(%arg11 : memref<128x64xf32, #tpu.memory_space<vmem>>)
      "tpu.region"() ({
        %run_scoped3A_139 = tpu.sem_alloc : memref<!tpu.dma_semaphore, #tpu.memory_space<semaphore_mem>>
        %dma_start3A_140 = arith.constant 0 : i32
        %dma_start3A_141 = tpu.memref_slice %arg8[%add3A_105, %dma_start3A_140] : memref<160x128xi32, #tpu.memory_space<vmem>> -> memref<1x128xi32, #tpu.memory_space<vmem>>
        %dma_start3A_142 = tpu.memref_squeeze %dma_start3A_141 : memref<1x128xi32, #tpu.memory_space<vmem>> -> memref<128xi32, #tpu.memory_space<vmem>>
        %dma_start3A_143 = arith.constant 0 : i32
        %dma_start3A_144 = arith.constant 0 : i32
        %dma_start3A_145 = tpu.memref_slice %arg13[%dma_start3A_143, %dma_start3A_144] : memref<10112x64xf32, #tpu.memory_space<vmem_shared>> -> memref<10112x64xf32, #tpu.memory_space<vmem_shared>>
        tpu.enqueue_indirect_dma source(%arg11 : memref<128x64xf32, #tpu.memory_space<vmem>>) target(%dma_start3A_145 : memref<10112x64xf32, #tpu.memory_space<vmem_shared>>) offsets(%dma_start3A_142 : memref<128xi32, #tpu.memory_space<vmem>>) semaphore(%run_scoped3A_139 : memref<!tpu.dma_semaphore, #tpu.memory_space<semaphore_mem>>) {add = true}
        %dma_wait3A_146 = arith.constant 0 : i32
        %dma_wait3A_147 = tpu.memref_slice %arg8[%add3A_105, %dma_wait3A_146] : memref<160x128xi32, #tpu.memory_space<vmem>> -> memref<1x128xi32, #tpu.memory_space<vmem>>
        %dma_wait3A_148 = tpu.memref_squeeze %dma_wait3A_147 : memref<1x128xi32, #tpu.memory_space<vmem>> -> memref<128xi32, #tpu.memory_space<vmem>>
        %dma_wait3A_149 = arith.constant 0 : i32
        %dma_wait3A_150 = arith.constant 0 : i32
        %dma_wait3A_151 = tpu.memref_slice %arg13[%dma_wait3A_149, %dma_wait3A_150] : memref<10112x64xf32, #tpu.memory_space<vmem_shared>> -> memref<10112x64xf32, #tpu.memory_space<vmem_shared>>
        tpu.wait_indirect_dma semaphore(%run_scoped3A_139 : memref<!tpu.dma_semaphore, #tpu.memory_space<semaphore_mem>>) src(%arg11 : memref<128x64xf32, #tpu.memory_space<vmem>>) dst(%dma_wait3A_151 : memref<10112x64xf32, #tpu.memory_space<vmem_shared>>)
        tpu.yield
      }) : () -> ()
      %add3A_112 = arith.constant 4 : i32
      %add3A_113 = arith.addi %add3A_105, %add3A_112 : i32
      %dma_start3A_114 = arith.constant 0 : i32
      %dma_start3A_115 = tpu.memref_slice %arg7[%add3A_113, %dma_start3A_114] : memref<160x128xi32, #tpu.memory_space<vmem>> -> memref<1x128xi32, #tpu.memory_space<vmem>>
      %dma_start3A_116 = tpu.memref_squeeze %dma_start3A_115 : memref<1x128xi32, #tpu.memory_space<vmem>> -> memref<128xi32, #tpu.memory_space<vmem>>
      %dma_start3A_117 = arith.constant 0 : i32
      %dma_start3A_118 = arith.constant 0 : i32
      %dma_start3A_119 = tpu.memref_slice %arg2[%dma_start3A_117, %dma_start3A_118] : memref<20000x64xf32, #tpu.memory_space<hbm>> -> memref<20000x64xf32, #tpu.memory_space<hbm>>
      tpu.enqueue_indirect_dma source(%dma_start3A_119 : memref<20000x64xf32, #tpu.memory_space<hbm>>) target(%arg11 : memref<128x64xf32, #tpu.memory_space<vmem>>) offsets(%dma_start3A_116 : memref<128xi32, #tpu.memory_space<vmem>>) semaphore(%arg16 : memref<!tpu.dma_semaphore, #tpu.memory_space<semaphore_mem>>)
      %mul3A_120 = arith.constant 4 : i32
      %mul3A_121 = arith.muli %scan3A_65, %mul3A_120 : i32
      %add3A_122 = arith.constant 3 : i32
      %add3A_123 = arith.addi %mul3A_121, %add3A_122 : i32
      %dma_wait3A_124 = arith.constant 0 : i32
      %dma_wait3A_125 = tpu.memref_slice %arg7[%add3A_123, %dma_wait3A_124] : memref<160x128xi32, #tpu.memory_space<vmem>> -> memref<1x128xi32, #tpu.memory_space<vmem>>
      %dma_wait3A_126 = tpu.memref_squeeze %dma_wait3A_125 : memref<1x128xi32, #tpu.memory_space<vmem>> -> memref<128xi32, #tpu.memory_space<vmem>>
      %dma_wait3A_127 = arith.constant 0 : i32
      %dma_wait3A_128 = arith.constant 0 : i32
      %dma_wait3A_129 = tpu.memref_slice %arg2[%dma_wait3A_127, %dma_wait3A_128] : memref<20000x64xf32, #tpu.memory_space<hbm>> -> memref<20000x64xf32, #tpu.memory_space<hbm>>
      tpu.wait_indirect_dma semaphore(%arg17 : memref<!tpu.dma_semaphore, #tpu.memory_space<semaphore_mem>>) src(%dma_wait3A_129 : memref<20000x64xf32, #tpu.memory_space<hbm>>) dst(%arg12 : memref<128x64xf32, #tpu.memory_space<vmem>>)
      "tpu.region"() ({
        %run_scoped3A_139 = tpu.sem_alloc : memref<!tpu.dma_semaphore, #tpu.memory_space<semaphore_mem>>
        %dma_start3A_140 = arith.constant 0 : i32
        %dma_start3A_141 = tpu.memref_slice %arg8[%add3A_123, %dma_start3A_140] : memref<160x128xi32, #tpu.memory_space<vmem>> -> memref<1x128xi32, #tpu.memory_space<vmem>>
        %dma_start3A_142 = tpu.memref_squeeze %dma_start3A_141 : memref<1x128xi32, #tpu.memory_space<vmem>> -> memref<128xi32, #tpu.memory_space<vmem>>
        %dma_start3A_143 = arith.constant 0 : i32
        %dma_start3A_144 = arith.constant 0 : i32
        %dma_start3A_145 = tpu.memref_slice %arg13[%dma_start3A_143, %dma_start3A_144] : memref<10112x64xf32, #tpu.memory_space<vmem_shared>> -> memref<10112x64xf32, #tpu.memory_space<vmem_shared>>
        tpu.enqueue_indirect_dma source(%arg12 : memref<128x64xf32, #tpu.memory_space<vmem>>) target(%dma_start3A_145 : memref<10112x64xf32, #tpu.memory_space<vmem_shared>>) offsets(%dma_start3A_142 : memref<128xi32, #tpu.memory_space<vmem>>) semaphore(%run_scoped3A_139 : memref<!tpu.dma_semaphore, #tpu.memory_space<semaphore_mem>>) {add = true}
        %dma_wait3A_146 = arith.constant 0 : i32
        %dma_wait3A_147 = tpu.memref_slice %arg8[%add3A_123, %dma_wait3A_146] : memref<160x128xi32, #tpu.memory_space<vmem>> -> memref<1x128xi32, #tpu.memory_space<vmem>>
        %dma_wait3A_148 = tpu.memref_squeeze %dma_wait3A_147 : memref<1x128xi32, #tpu.memory_space<vmem>> -> memref<128xi32, #tpu.memory_space<vmem>>
        %dma_wait3A_149 = arith.constant 0 : i32
        %dma_wait3A_150 = arith.constant 0 : i32
        %dma_wait3A_151 = tpu.memref_slice %arg13[%dma_wait3A_149, %dma_wait3A_150] : memref<10112x64xf32, #tpu.memory_space<vmem_shared>> -> memref<10112x64xf32, #tpu.memory_space<vmem_shared>>
        tpu.wait_indirect_dma semaphore(%run_scoped3A_139 : memref<!tpu.dma_semaphore, #tpu.memory_space<semaphore_mem>>) src(%arg12 : memref<128x64xf32, #tpu.memory_space<vmem>>) dst(%dma_wait3A_151 : memref<10112x64xf32, #tpu.memory_space<vmem_shared>>)
        tpu.yield
      }) : () -> ()
      %add3A_130 = arith.constant 4 : i32
      %add3A_131 = arith.addi %add3A_123, %add3A_130 : i32
      %dma_start3A_132 = arith.constant 0 : i32
      %dma_start3A_133 = tpu.memref_slice %arg7[%add3A_131, %dma_start3A_132] : memref<160x128xi32, #tpu.memory_space<vmem>> -> memref<1x128xi32, #tpu.memory_space<vmem>>
      %dma_start3A_134 = tpu.memref_squeeze %dma_start3A_133 : memref<1x128xi32, #tpu.memory_space<vmem>> -> memref<128xi32, #tpu.memory_space<vmem>>
      %dma_start3A_135 = arith.constant 0 : i32
      %dma_start3A_136 = arith.constant 0 : i32
      %dma_start3A_137 = tpu.memref_slice %arg2[%dma_start3A_135, %dma_start3A_136] : memref<20000x64xf32, #tpu.memory_space<hbm>> -> memref<20000x64xf32, #tpu.memory_space<hbm>>
      tpu.enqueue_indirect_dma source(%dma_start3A_137 : memref<20000x64xf32, #tpu.memory_space<hbm>>) target(%arg12 : memref<128x64xf32, #tpu.memory_space<vmem>>) offsets(%dma_start3A_134 : memref<128xi32, #tpu.memory_space<vmem>>) semaphore(%arg17 : memref<!tpu.dma_semaphore, #tpu.memory_space<semaphore_mem>>)
      %scan3A_138 = arith.constant 0 : i32
      scf.yield %scan3A_138 : i32
    }
    %scan3A_33 = arith.constant 39 : i32
    %dma_wait3A = arith.constant 156 : i32
    %dma_wait3A_34 = arith.constant 0 : i32
    %dma_wait3A_35 = tpu.memref_slice %arg7[%dma_wait3A, %dma_wait3A_34] : memref<160x128xi32, #tpu.memory_space<vmem>> -> memref<1x128xi32, #tpu.memory_space<vmem>>
    %dma_wait3A_36 = tpu.memref_squeeze %dma_wait3A_35 : memref<1x128xi32, #tpu.memory_space<vmem>> -> memref<128xi32, #tpu.memory_space<vmem>>
    %dma_wait3A_37 = arith.constant 0 : i32
    %dma_wait3A_38 = arith.constant 0 : i32
    %dma_wait3A_39 = tpu.memref_slice %arg2[%dma_wait3A_37, %dma_wait3A_38] : memref<20000x64xf32, #tpu.memory_space<hbm>> -> memref<20000x64xf32, #tpu.memory_space<hbm>>
    tpu.wait_indirect_dma semaphore(%arg14 : memref<!tpu.dma_semaphore, #tpu.memory_space<semaphore_mem>>) src(%dma_wait3A_39 : memref<20000x64xf32, #tpu.memory_space<hbm>>) dst(%arg9 : memref<128x64xf32, #tpu.memory_space<vmem>>)
    %run_scoped3A = arith.constant 156 : i32
    "tpu.region"() ({
      %run_scoped3A_65 = tpu.sem_alloc : memref<!tpu.dma_semaphore, #tpu.memory_space<semaphore_mem>>
      %dma_start3A_66 = arith.constant 0 : i32
      %dma_start3A_67 = tpu.memref_slice %arg8[%run_scoped3A, %dma_start3A_66] : memref<160x128xi32, #tpu.memory_space<vmem>> -> memref<1x128xi32, #tpu.memory_space<vmem>>
      %dma_start3A_68 = tpu.memref_squeeze %dma_start3A_67 : memref<1x128xi32, #tpu.memory_space<vmem>> -> memref<128xi32, #tpu.memory_space<vmem>>
      %dma_start3A_69 = arith.constant 0 : i32
      %dma_start3A_70 = arith.constant 0 : i32
      %dma_start3A_71 = tpu.memref_slice %arg13[%dma_start3A_69, %dma_start3A_70] : memref<10112x64xf32, #tpu.memory_space<vmem_shared>> -> memref<10112x64xf32, #tpu.memory_space<vmem_shared>>
      tpu.enqueue_indirect_dma source(%arg9 : memref<128x64xf32, #tpu.memory_space<vmem>>) target(%dma_start3A_71 : memref<10112x64xf32, #tpu.memory_space<vmem_shared>>) offsets(%dma_start3A_68 : memref<128xi32, #tpu.memory_space<vmem>>) semaphore(%run_scoped3A_65 : memref<!tpu.dma_semaphore, #tpu.memory_space<semaphore_mem>>) {add = true}
      %dma_wait3A_72 = arith.constant 0 : i32
      %dma_wait3A_73 = tpu.memref_slice %arg8[%run_scoped3A, %dma_wait3A_72] : memref<160x128xi32, #tpu.memory_space<vmem>> -> memref<1x128xi32, #tpu.memory_space<vmem>>
      %dma_wait3A_74 = tpu.memref_squeeze %dma_wait3A_73 : memref<1x128xi32, #tpu.memory_space<vmem>> -> memref<128xi32, #tpu.memory_space<vmem>>
      %dma_wait3A_75 = arith.constant 0 : i32
      %dma_wait3A_76 = arith.constant 0 : i32
      %dma_wait3A_77 = tpu.memref_slice %arg13[%dma_wait3A_75, %dma_wait3A_76] : memref<10112x64xf32, #tpu.memory_space<vmem_shared>> -> memref<10112x64xf32, #tpu.memory_space<vmem_shared>>
      tpu.wait_indirect_dma semaphore(%run_scoped3A_65 : memref<!tpu.dma_semaphore, #tpu.memory_space<semaphore_mem>>) src(%arg9 : memref<128x64xf32, #tpu.memory_space<vmem>>) dst(%dma_wait3A_77 : memref<10112x64xf32, #tpu.memory_space<vmem_shared>>)
      tpu.yield
    }) : () -> ()
    %dma_wait3A_40 = arith.constant 157 : i32
    %dma_wait3A_41 = arith.constant 0 : i32
    %dma_wait3A_42 = tpu.memref_slice %arg7[%dma_wait3A_40, %dma_wait3A_41] : memref<160x128xi32, #tpu.memory_space<vmem>> -> memref<1x128xi32, #tpu.memory_space<vmem>>
    %dma_wait3A_43 = tpu.memref_squeeze %dma_wait3A_42 : memref<1x128xi32, #tpu.memory_space<vmem>> -> memref<128xi32, #tpu.memory_space<vmem>>
    %dma_wait3A_44 = arith.constant 0 : i32
    %dma_wait3A_45 = arith.constant 0 : i32
    %dma_wait3A_46 = tpu.memref_slice %arg2[%dma_wait3A_44, %dma_wait3A_45] : memref<20000x64xf32, #tpu.memory_space<hbm>> -> memref<20000x64xf32, #tpu.memory_space<hbm>>
    tpu.wait_indirect_dma semaphore(%arg15 : memref<!tpu.dma_semaphore, #tpu.memory_space<semaphore_mem>>) src(%dma_wait3A_46 : memref<20000x64xf32, #tpu.memory_space<hbm>>) dst(%arg10 : memref<128x64xf32, #tpu.memory_space<vmem>>)
    %run_scoped3A_47 = arith.constant 157 : i32
    "tpu.region"() ({
      %run_scoped3A_65 = tpu.sem_alloc : memref<!tpu.dma_semaphore, #tpu.memory_space<semaphore_mem>>
      %dma_start3A_66 = arith.constant 0 : i32
      %dma_start3A_67 = tpu.memref_slice %arg8[%run_scoped3A_47, %dma_start3A_66] : memref<160x128xi32, #tpu.memory_space<vmem>> -> memref<1x128xi32, #tpu.memory_space<vmem>>
      %dma_start3A_68 = tpu.memref_squeeze %dma_start3A_67 : memref<1x128xi32, #tpu.memory_space<vmem>> -> memref<128xi32, #tpu.memory_space<vmem>>
      %dma_start3A_69 = arith.constant 0 : i32
      %dma_start3A_70 = arith.constant 0 : i32
      %dma_start3A_71 = tpu.memref_slice %arg13[%dma_start3A_69, %dma_start3A_70] : memref<10112x64xf32, #tpu.memory_space<vmem_shared>> -> memref<10112x64xf32, #tpu.memory_space<vmem_shared>>
      tpu.enqueue_indirect_dma source(%arg10 : memref<128x64xf32, #tpu.memory_space<vmem>>) target(%dma_start3A_71 : memref<10112x64xf32, #tpu.memory_space<vmem_shared>>) offsets(%dma_start3A_68 : memref<128xi32, #tpu.memory_space<vmem>>) semaphore(%run_scoped3A_65 : memref<!tpu.dma_semaphore, #tpu.memory_space<semaphore_mem>>) {add = true}
      %dma_wait3A_72 = arith.constant 0 : i32
      %dma_wait3A_73 = tpu.memref_slice %arg8[%run_scoped3A_47, %dma_wait3A_72] : memref<160x128xi32, #tpu.memory_space<vmem>> -> memref<1x128xi32, #tpu.memory_space<vmem>>
      %dma_wait3A_74 = tpu.memref_squeeze %dma_wait3A_73 : memref<1x128xi32, #tpu.memory_space<vmem>> -> memref<128xi32, #tpu.memory_space<vmem>>
      %dma_wait3A_75 = arith.constant 0 : i32
      %dma_wait3A_76 = arith.constant 0 : i32
      %dma_wait3A_77 = tpu.memref_slice %arg13[%dma_wait3A_75, %dma_wait3A_76] : memref<10112x64xf32, #tpu.memory_space<vmem_shared>> -> memref<10112x64xf32, #tpu.memory_space<vmem_shared>>
      tpu.wait_indirect_dma semaphore(%run_scoped3A_65 : memref<!tpu.dma_semaphore, #tpu.memory_space<semaphore_mem>>) src(%arg10 : memref<128x64xf32, #tpu.memory_space<vmem>>) dst(%dma_wait3A_77 : memref<10112x64xf32, #tpu.memory_space<vmem_shared>>)
      tpu.yield
    }) : () -> ()
    %dma_wait3A_48 = arith.constant 158 : i32
    %dma_wait3A_49 = arith.constant 0 : i32
    %dma_wait3A_50 = tpu.memref_slice %arg7[%dma_wait3A_48, %dma_wait3A_49] : memref<160x128xi32, #tpu.memory_space<vmem>> -> memref<1x128xi32, #tpu.memory_space<vmem>>
    %dma_wait3A_51 = tpu.memref_squeeze %dma_wait3A_50 : memref<1x128xi32, #tpu.memory_space<vmem>> -> memref<128xi32, #tpu.memory_space<vmem>>
    %dma_wait3A_52 = arith.constant 0 : i32
    %dma_wait3A_53 = arith.constant 0 : i32
    %dma_wait3A_54 = tpu.memref_slice %arg2[%dma_wait3A_52, %dma_wait3A_53] : memref<20000x64xf32, #tpu.memory_space<hbm>> -> memref<20000x64xf32, #tpu.memory_space<hbm>>
    tpu.wait_indirect_dma semaphore(%arg16 : memref<!tpu.dma_semaphore, #tpu.memory_space<semaphore_mem>>) src(%dma_wait3A_54 : memref<20000x64xf32, #tpu.memory_space<hbm>>) dst(%arg11 : memref<128x64xf32, #tpu.memory_space<vmem>>)
    %run_scoped3A_55 = arith.constant 158 : i32
    "tpu.region"() ({
      %run_scoped3A_65 = tpu.sem_alloc : memref<!tpu.dma_semaphore, #tpu.memory_space<semaphore_mem>>
      %dma_start3A_66 = arith.constant 0 : i32
      %dma_start3A_67 = tpu.memref_slice %arg8[%run_scoped3A_55, %dma_start3A_66] : memref<160x128xi32, #tpu.memory_space<vmem>> -> memref<1x128xi32, #tpu.memory_space<vmem>>
      %dma_start3A_68 = tpu.memref_squeeze %dma_start3A_67 : memref<1x128xi32, #tpu.memory_space<vmem>> -> memref<128xi32, #tpu.memory_space<vmem>>
      %dma_start3A_69 = arith.constant 0 : i32
      %dma_start3A_70 = arith.constant 0 : i32
      %dma_start3A_71 = tpu.memref_slice %arg13[%dma_start3A_69, %dma_start3A_70] : memref<10112x64xf32, #tpu.memory_space<vmem_shared>> -> memref<10112x64xf32, #tpu.memory_space<vmem_shared>>
      tpu.enqueue_indirect_dma source(%arg11 : memref<128x64xf32, #tpu.memory_space<vmem>>) target(%dma_start3A_71 : memref<10112x64xf32, #tpu.memory_space<vmem_shared>>) offsets(%dma_start3A_68 : memref<128xi32, #tpu.memory_space<vmem>>) semaphore(%run_scoped3A_65 : memref<!tpu.dma_semaphore, #tpu.memory_space<semaphore_mem>>) {add = true}
      %dma_wait3A_72 = arith.constant 0 : i32
      %dma_wait3A_73 = tpu.memref_slice %arg8[%run_scoped3A_55, %dma_wait3A_72] : memref<160x128xi32, #tpu.memory_space<vmem>> -> memref<1x128xi32, #tpu.memory_space<vmem>>
      %dma_wait3A_74 = tpu.memref_squeeze %dma_wait3A_73 : memref<1x128xi32, #tpu.memory_space<vmem>> -> memref<128xi32, #tpu.memory_space<vmem>>
      %dma_wait3A_75 = arith.constant 0 : i32
      %dma_wait3A_76 = arith.constant 0 : i32
      %dma_wait3A_77 = tpu.memref_slice %arg13[%dma_wait3A_75, %dma_wait3A_76] : memref<10112x64xf32, #tpu.memory_space<vmem_shared>> -> memref<10112x64xf32, #tpu.memory_space<vmem_shared>>
      tpu.wait_indirect_dma semaphore(%run_scoped3A_65 : memref<!tpu.dma_semaphore, #tpu.memory_space<semaphore_mem>>) src(%arg11 : memref<128x64xf32, #tpu.memory_space<vmem>>) dst(%dma_wait3A_77 : memref<10112x64xf32, #tpu.memory_space<vmem_shared>>)
      tpu.yield
    }) : () -> ()
    %dma_wait3A_56 = arith.constant 159 : i32
    %dma_wait3A_57 = arith.constant 0 : i32
    %dma_wait3A_58 = tpu.memref_slice %arg7[%dma_wait3A_56, %dma_wait3A_57] : memref<160x128xi32, #tpu.memory_space<vmem>> -> memref<1x128xi32, #tpu.memory_space<vmem>>
    %dma_wait3A_59 = tpu.memref_squeeze %dma_wait3A_58 : memref<1x128xi32, #tpu.memory_space<vmem>> -> memref<128xi32, #tpu.memory_space<vmem>>
    %dma_wait3A_60 = arith.constant 0 : i32
    %dma_wait3A_61 = arith.constant 0 : i32
    %dma_wait3A_62 = tpu.memref_slice %arg2[%dma_wait3A_60, %dma_wait3A_61] : memref<20000x64xf32, #tpu.memory_space<hbm>> -> memref<20000x64xf32, #tpu.memory_space<hbm>>
    tpu.wait_indirect_dma semaphore(%arg17 : memref<!tpu.dma_semaphore, #tpu.memory_space<semaphore_mem>>) src(%dma_wait3A_62 : memref<20000x64xf32, #tpu.memory_space<hbm>>) dst(%arg12 : memref<128x64xf32, #tpu.memory_space<vmem>>)
    %run_scoped3A_63 = arith.constant 159 : i32
    "tpu.region"() ({
      %run_scoped3A_65 = tpu.sem_alloc : memref<!tpu.dma_semaphore, #tpu.memory_space<semaphore_mem>>
      %dma_start3A_66 = arith.constant 0 : i32
      %dma_start3A_67 = tpu.memref_slice %arg8[%run_scoped3A_63, %dma_start3A_66] : memref<160x128xi32, #tpu.memory_space<vmem>> -> memref<1x128xi32, #tpu.memory_space<vmem>>
      %dma_start3A_68 = tpu.memref_squeeze %dma_start3A_67 : memref<1x128xi32, #tpu.memory_space<vmem>> -> memref<128xi32, #tpu.memory_space<vmem>>
      %dma_start3A_69 = arith.constant 0 : i32
      %dma_start3A_70 = arith.constant 0 : i32
      %dma_start3A_71 = tpu.memref_slice %arg13[%dma_start3A_69, %dma_start3A_70] : memref<10112x64xf32, #tpu.memory_space<vmem_shared>> -> memref<10112x64xf32, #tpu.memory_space<vmem_shared>>
      tpu.enqueue_indirect_dma source(%arg12 : memref<128x64xf32, #tpu.memory_space<vmem>>) target(%dma_start3A_71 : memref<10112x64xf32, #tpu.memory_space<vmem_shared>>) offsets(%dma_start3A_68 : memref<128xi32, #tpu.memory_space<vmem>>) semaphore(%run_scoped3A_65 : memref<!tpu.dma_semaphore, #tpu.memory_space<semaphore_mem>>) {add = true}
      %dma_wait3A_72 = arith.constant 0 : i32
      %dma_wait3A_73 = tpu.memref_slice %arg8[%run_scoped3A_63, %dma_wait3A_72] : memref<160x128xi32, #tpu.memory_space<vmem>> -> memref<1x128xi32, #tpu.memory_space<vmem>>
      %dma_wait3A_74 = tpu.memref_squeeze %dma_wait3A_73 : memref<1x128xi32, #tpu.memory_space<vmem>> -> memref<128xi32, #tpu.memory_space<vmem>>
      %dma_wait3A_75 = arith.constant 0 : i32
      %dma_wait3A_76 = arith.constant 0 : i32
      %dma_wait3A_77 = tpu.memref_slice %arg13[%dma_wait3A_75, %dma_wait3A_76] : memref<10112x64xf32, #tpu.memory_space<vmem_shared>> -> memref<10112x64xf32, #tpu.memory_space<vmem_shared>>
      tpu.wait_indirect_dma semaphore(%run_scoped3A_65 : memref<!tpu.dma_semaphore, #tpu.memory_space<semaphore_mem>>) src(%arg12 : memref<128x64xf32, #tpu.memory_space<vmem>>) dst(%dma_wait3A_77 : memref<10112x64xf32, #tpu.memory_space<vmem_shared>>)
      tpu.yield
    }) : () -> ()
    %barrier3A_64 = arith.constant 0 : index
    tpu.barrier barrier_id(%barrier3A_64)
    "tpu.region"() ({
      %run_scoped3A_65 = tpu.sem_alloc : memref<!tpu.dma_semaphore, #tpu.memory_space<semaphore_mem>>
      %dma_start3A_66 = arith.constant 0 : i32
      %dma_start3A_67 = tpu.memref_slice %arg6[%arg0, %mul3A_0, %dma_start3A_66] : memref<2x10112x64xf32, #tpu.memory_space<hbm>> -> memref<1x632x64xf32, #tpu.memory_space<hbm>>
      %dma_start3A_68 = tpu.memref_squeeze %dma_start3A_67 : memref<1x632x64xf32, #tpu.memory_space<hbm>> -> memref<632x64xf32, #tpu.memory_space<hbm>>
      %dma_start3A_69 = arith.constant 0 : i32
      %dma_start3A_70 = tpu.memref_slice %arg13[%mul3A_0, %dma_start3A_69] : memref<10112x64xf32, #tpu.memory_space<vmem_shared>> -> memref<632x64xf32, #tpu.memory_space<vmem_shared>>
      tpu.enqueue_dma source(%dma_start3A_70 : memref<632x64xf32, #tpu.memory_space<vmem_shared>>) target(%dma_start3A_68 : memref<632x64xf32, #tpu.memory_space<hbm>>) target_semaphore(%run_scoped3A_65 : memref<!tpu.dma_semaphore, #tpu.memory_space<semaphore_mem>>)
      %dma_wait3A_71 = arith.constant 0 : i32
      %dma_wait3A_72 = tpu.memref_slice %arg6[%arg0, %mul3A_0, %dma_wait3A_71] : memref<2x10112x64xf32, #tpu.memory_space<hbm>> -> memref<1x632x64xf32, #tpu.memory_space<hbm>>
      %dma_wait3A_73 = tpu.memref_squeeze %dma_wait3A_72 : memref<1x632x64xf32, #tpu.memory_space<hbm>> -> memref<632x64xf32, #tpu.memory_space<hbm>>
      %dma_wait3A_74 = arith.constant 0 : i32
      %dma_wait3A_75 = tpu.memref_slice %arg13[%mul3A_0, %dma_wait3A_74] : memref<10112x64xf32, #tpu.memory_space<vmem_shared>> -> memref<632x64xf32, #tpu.memory_space<vmem_shared>>
      tpu.wait_dma2 semaphore(%run_scoped3A_65 : memref<!tpu.dma_semaphore, #tpu.memory_space<semaphore_mem>>) src(%dma_wait3A_75 : memref<632x64xf32, #tpu.memory_space<vmem_shared>>) dst(%dma_wait3A_73 : memref<632x64xf32, #tpu.memory_space<hbm>>)
      tpu.yield
    }) : () -> ()
    return
  }
}

#map = affine_map<(d0, d1) -> (0, 0)>
#map1 = affine_map<(d0, d1) -> (0, 0, 0, 0)>
#map2 = affine_map<(d0, d1) -> (0, 0, 0)>
module attributes {stable_mosaic.version = 14 : i64} {
  func.func @agg_kernel(%arg0: i32, %arg1: i32, %arg2: memref<20000x64xf32, #tpu.memory_space<hbm>>, %arg3: memref<2x16x160x128xi32, #tpu.memory_space<hbm>>, %arg4: memref<16x160x128xi32, #tpu.memory_space<hbm>>, %arg5: memref<632x64xf32, #tpu.memory_space<hbm>>, %arg6: memref<2x10112x64xf32, #tpu.memory_space<hbm>>, %arg7: memref<160x128xi32, #tpu.memory_space<vmem>>, %arg8: memref<160x128xi32, #tpu.memory_space<vmem>>, %arg9: memref<128x64xf32, #tpu.memory_space<vmem>>, %arg10: memref<128x64xf32, #tpu.memory_space<vmem>>, %arg11: memref<128x64xf32, #tpu.memory_space<vmem>>, %arg12: memref<128x64xf32, #tpu.memory_space<vmem>>, %arg13: memref<10112x64xf32, #tpu.memory_space<vmem_shared>>, %arg14: memref<!tpu.dma_semaphore, #tpu.memory_space<semaphore_mem>>, %arg15: memref<!tpu.dma_semaphore, #tpu.memory_space<semaphore_mem>>, %arg16: memref<!tpu.dma_semaphore, #tpu.memory_space<semaphore_mem>>, %arg17: memref<!tpu.dma_semaphore, #tpu.memory_space<semaphore_mem>>) attributes {dimension_semantics = [#tpu.dimension_semantics<core_parallel>, #tpu.dimension_semantics<subcore_parallel>], iteration_bounds = array<i64: 2, 16>, scalar_prefetch = 0 : i64, scratch_operands = 11 : i64, tpu.core_type = #tpu.core_type<sc_vector_subcore>, window_params = [{transform_indices = #map}, {transform_indices = #map1}, {transform_indices = #map2}, {transform_indices = #map}, {transform_indices = #map2}]} {
    "tpu.region"() ({
      %run_scoped3A_65 = tpu.sem_alloc : memref<!tpu.dma_semaphore, #tpu.memory_space<semaphore_mem>>
      %dma_start3A_66 = arith.constant 0 : i32
      %dma_start3A_67 = arith.constant 0 : i32
      %dma_start3A_68 = tpu.memref_slice %arg3[%arg0, %arg1, %dma_start3A_66, %dma_start3A_67] : memref<2x16x160x128xi32, #tpu.memory_space<hbm>> -> memref<1x1x160x128xi32, #tpu.memory_space<hbm>>
      %dma_start3A_69 = tpu.memref_squeeze %dma_start3A_68 : memref<1x1x160x128xi32, #tpu.memory_space<hbm>> -> memref<160x128xi32, #tpu.memory_space<hbm>>
      %dma_start3A_70 = arith.constant 0 : i32
      %dma_start3A_71 = arith.constant 0 : i32
      %dma_start3A_72 = tpu.memref_slice %arg3[%arg0, %arg1, %dma_start3A_70, %dma_start3A_71] : memref<2x16x160x128xi32, #tpu.memory_space<hbm>> -> memref<1x1x160x128xi32, #tpu.memory_space<hbm>>
      %dma_start3A_73 = tpu.memref_squeeze %dma_start3A_72 : memref<1x1x160x128xi32, #tpu.memory_space<hbm>> -> memref<160x128xi32, #tpu.memory_space<hbm>>
      tpu.enqueue_dma source(%dma_start3A_73 : memref<160x128xi32, #tpu.memory_space<hbm>>) target(%arg7 : memref<160x128xi32, #tpu.memory_space<vmem>>) target_semaphore(%run_scoped3A_65 : memref<!tpu.dma_semaphore, #tpu.memory_space<semaphore_mem>>)
      %dma_wait3A_74 = arith.constant 0 : i32
      %dma_wait3A_75 = arith.constant 0 : i32
      %dma_wait3A_76 = tpu.memref_slice %arg3[%arg0, %arg1, %dma_wait3A_74, %dma_wait3A_75] : memref<2x16x160x128xi32, #tpu.memory_space<hbm>> -> memref<1x1x160x128xi32, #tpu.memory_space<hbm>>
      %dma_wait3A_77 = tpu.memref_squeeze %dma_wait3A_76 : memref<1x1x160x128xi32, #tpu.memory_space<hbm>> -> memref<160x128xi32, #tpu.memory_space<hbm>>
      %dma_wait3A_78 = arith.constant 0 : i32
      %dma_wait3A_79 = arith.constant 0 : i32
      %dma_wait3A_80 = tpu.memref_slice %arg3[%arg0, %arg1, %dma_wait3A_78, %dma_wait3A_79] : memref<2x16x160x128xi32, #tpu.memory_space<hbm>> -> memref<1x1x160x128xi32, #tpu.memory_space<hbm>>
      %dma_wait3A_81 = tpu.memref_squeeze %dma_wait3A_80 : memref<1x1x160x128xi32, #tpu.memory_space<hbm>> -> memref<160x128xi32, #tpu.memory_space<hbm>>
      tpu.wait_dma2 semaphore(%run_scoped3A_65 : memref<!tpu.dma_semaphore, #tpu.memory_space<semaphore_mem>>) src(%dma_wait3A_81 : memref<160x128xi32, #tpu.memory_space<hbm>>) dst(%arg7 : memref<160x128xi32, #tpu.memory_space<vmem>>)
      tpu.yield
    }) : () -> ()
    "tpu.region"() ({
      %run_scoped3A_65 = tpu.sem_alloc : memref<!tpu.dma_semaphore, #tpu.memory_space<semaphore_mem>>
      %dma_start3A_66 = arith.constant 0 : i32
      %dma_start3A_67 = arith.constant 0 : i32
      %dma_start3A_68 = tpu.memref_slice %arg4[%arg1, %dma_start3A_66, %dma_start3A_67] : memref<16x160x128xi32, #tpu.memory_space<hbm>> -> memref<1x160x128xi32, #tpu.memory_space<hbm>>
      %dma_start3A_69 = tpu.memref_squeeze %dma_start3A_68 : memref<1x160x128xi32, #tpu.memory_space<hbm>> -> memref<160x128xi32, #tpu.memory_space<hbm>>
      %dma_start3A_70 = arith.constant 0 : i32
      %dma_start3A_71 = arith.constant 0 : i32
      %dma_start3A_72 = tpu.memref_slice %arg4[%arg1, %dma_start3A_70, %dma_start3A_71] : memref<16x160x128xi32, #tpu.memory_space<hbm>> -> memref<1x160x128xi32, #tpu.memory_space<hbm>>
      %dma_start3A_73 = tpu.memref_squeeze %dma_start3A_72 : memref<1x160x128xi32, #tpu.memory_space<hbm>> -> memref<160x128xi32, #tpu.memory_space<hbm>>
      tpu.enqueue_dma source(%dma_start3A_73 : memref<160x128xi32, #tpu.memory_space<hbm>>) target(%arg8 : memref<160x128xi32, #tpu.memory_space<vmem>>) target_semaphore(%run_scoped3A_65 : memref<!tpu.dma_semaphore, #tpu.memory_space<semaphore_mem>>)
      %dma_wait3A_74 = arith.constant 0 : i32
      %dma_wait3A_75 = arith.constant 0 : i32
      %dma_wait3A_76 = tpu.memref_slice %arg4[%arg1, %dma_wait3A_74, %dma_wait3A_75] : memref<16x160x128xi32, #tpu.memory_space<hbm>> -> memref<1x160x128xi32, #tpu.memory_space<hbm>>
      %dma_wait3A_77 = tpu.memref_squeeze %dma_wait3A_76 : memref<1x160x128xi32, #tpu.memory_space<hbm>> -> memref<160x128xi32, #tpu.memory_space<hbm>>
      %dma_wait3A_78 = arith.constant 0 : i32
      %dma_wait3A_79 = arith.constant 0 : i32
      %dma_wait3A_80 = tpu.memref_slice %arg4[%arg1, %dma_wait3A_78, %dma_wait3A_79] : memref<16x160x128xi32, #tpu.memory_space<hbm>> -> memref<1x160x128xi32, #tpu.memory_space<hbm>>
      %dma_wait3A_81 = tpu.memref_squeeze %dma_wait3A_80 : memref<1x160x128xi32, #tpu.memory_space<hbm>> -> memref<160x128xi32, #tpu.memory_space<hbm>>
      tpu.wait_dma2 semaphore(%run_scoped3A_65 : memref<!tpu.dma_semaphore, #tpu.memory_space<semaphore_mem>>) src(%dma_wait3A_81 : memref<160x128xi32, #tpu.memory_space<hbm>>) dst(%arg8 : memref<160x128xi32, #tpu.memory_space<vmem>>)
      tpu.yield
    }) : () -> ()
    %mul3A = arith.constant 632 : i32
    %mul3A_0 = arith.muli %arg1, %mul3A : i32
    "tpu.region"() ({
      %run_scoped3A_65 = tpu.sem_alloc : memref<!tpu.dma_semaphore, #tpu.memory_space<semaphore_mem>>
      %dma_start3A_66 = arith.constant 0 : i32
      %dma_start3A_67 = tpu.memref_slice %arg13[%mul3A_0, %dma_start3A_66] : memref<10112x64xf32, #tpu.memory_space<vmem_shared>> -> memref<632x64xf32, #tpu.memory_space<vmem_shared>>
      tpu.enqueue_dma source(%arg5 : memref<632x64xf32, #tpu.memory_space<hbm>>) target(%dma_start3A_67 : memref<632x64xf32, #tpu.memory_space<vmem_shared>>) target_semaphore(%run_scoped3A_65 : memref<!tpu.dma_semaphore, #tpu.memory_space<semaphore_mem>>)
      %dma_wait3A_68 = arith.constant 0 : i32
      %dma_wait3A_69 = tpu.memref_slice %arg13[%mul3A_0, %dma_wait3A_68] : memref<10112x64xf32, #tpu.memory_space<vmem_shared>> -> memref<632x64xf32, #tpu.memory_space<vmem_shared>>
      tpu.wait_dma2 semaphore(%run_scoped3A_65 : memref<!tpu.dma_semaphore, #tpu.memory_space<semaphore_mem>>) src(%arg5 : memref<632x64xf32, #tpu.memory_space<hbm>>) dst(%dma_wait3A_69 : memref<632x64xf32, #tpu.memory_space<vmem_shared>>)
      tpu.yield
    }) : () -> ()
    %barrier3A = arith.constant 0 : index
    tpu.barrier barrier_id(%barrier3A)
    %dma_start3A = arith.constant 0 : i32
    %dma_start3A_1 = arith.constant 0 : i32
    %dma_start3A_2 = tpu.memref_slice %arg7[%dma_start3A, %dma_start3A_1] : memref<160x128xi32, #tpu.memory_space<vmem>> -> memref<1x128xi32, #tpu.memory_space<vmem>>
    %dma_start3A_3 = tpu.memref_squeeze %dma_start3A_2 : memref<1x128xi32, #tpu.memory_space<vmem>> -> memref<128xi32, #tpu.memory_space<vmem>>
    %dma_start3A_4 = arith.constant 0 : i32
    %dma_start3A_5 = arith.constant 0 : i32
    %dma_start3A_6 = tpu.memref_slice %arg2[%dma_start3A_4, %dma_start3A_5] : memref<20000x64xf32, #tpu.memory_space<hbm>> -> memref<20000x64xf32, #tpu.memory_space<hbm>>
    tpu.enqueue_indirect_dma source(%dma_start3A_6 : memref<20000x64xf32, #tpu.memory_space<hbm>>) target(%arg9 : memref<128x64xf32, #tpu.memory_space<vmem>>) offsets(%dma_start3A_3 : memref<128xi32, #tpu.memory_space<vmem>>) semaphore(%arg14 : memref<!tpu.dma_semaphore, #tpu.memory_space<semaphore_mem>>)
    %dma_start3A_7 = arith.constant 1 : i32
    %dma_start3A_8 = arith.constant 0 : i32
    %dma_start3A_9 = tpu.memref_slice %arg7[%dma_start3A_7, %dma_start3A_8] : memref<160x128xi32, #tpu.memory_space<vmem>> -> memref<1x128xi32, #tpu.memory_space<vmem>>
    %dma_start3A_10 = tpu.memref_squeeze %dma_start3A_9 : memref<1x128xi32, #tpu.memory_space<vmem>> -> memref<128xi32, #tpu.memory_space<vmem>>
    %dma_start3A_11 = arith.constant 0 : i32
    %dma_start3A_12 = arith.constant 0 : i32
    %dma_start3A_13 = tpu.memref_slice %arg2[%dma_start3A_11, %dma_start3A_12] : memref<20000x64xf32, #tpu.memory_space<hbm>> -> memref<20000x64xf32, #tpu.memory_space<hbm>>
    tpu.enqueue_indirect_dma source(%dma_start3A_13 : memref<20000x64xf32, #tpu.memory_space<hbm>>) target(%arg10 : memref<128x64xf32, #tpu.memory_space<vmem>>) offsets(%dma_start3A_10 : memref<128xi32, #tpu.memory_space<vmem>>) semaphore(%arg15 : memref<!tpu.dma_semaphore, #tpu.memory_space<semaphore_mem>>)
    %dma_start3A_14 = arith.constant 2 : i32
    %dma_start3A_15 = arith.constant 0 : i32
    %dma_start3A_16 = tpu.memref_slice %arg7[%dma_start3A_14, %dma_start3A_15] : memref<160x128xi32, #tpu.memory_space<vmem>> -> memref<1x128xi32, #tpu.memory_space<vmem>>
    %dma_start3A_17 = tpu.memref_squeeze %dma_start3A_16 : memref<1x128xi32, #tpu.memory_space<vmem>> -> memref<128xi32, #tpu.memory_space<vmem>>
    %dma_start3A_18 = arith.constant 0 : i32
    %dma_start3A_19 = arith.constant 0 : i32
    %dma_start3A_20 = tpu.memref_slice %arg2[%dma_start3A_18, %dma_start3A_19] : memref<20000x64xf32, #tpu.memory_space<hbm>> -> memref<20000x64xf32, #tpu.memory_space<hbm>>
    tpu.enqueue_indirect_dma source(%dma_start3A_20 : memref<20000x64xf32, #tpu.memory_space<hbm>>) target(%arg11 : memref<128x64xf32, #tpu.memory_space<vmem>>) offsets(%dma_start3A_17 : memref<128xi32, #tpu.memory_space<vmem>>) semaphore(%arg16 : memref<!tpu.dma_semaphore, #tpu.memory_space<semaphore_mem>>)
    %dma_start3A_21 = arith.constant 3 : i32
    %dma_start3A_22 = arith.constant 0 : i32
    %dma_start3A_23 = tpu.memref_slice %arg7[%dma_start3A_21, %dma_start3A_22] : memref<160x128xi32, #tpu.memory_space<vmem>> -> memref<1x128xi32, #tpu.memory_space<vmem>>
    %dma_start3A_24 = tpu.memref_squeeze %dma_start3A_23 : memref<1x128xi32, #tpu.memory_space<vmem>> -> memref<128xi32, #tpu.memory_space<vmem>>
    %dma_start3A_25 = arith.constant 0 : i32
    %dma_start3A_26 = arith.constant 0 : i32
    %dma_start3A_27 = tpu.memref_slice %arg2[%dma_start3A_25, %dma_start3A_26] : memref<20000x64xf32, #tpu.memory_space<hbm>> -> memref<20000x64xf32, #tpu.memory_space<hbm>>
    tpu.enqueue_indirect_dma source(%dma_start3A_27 : memref<20000x64xf32, #tpu.memory_space<hbm>>) target(%arg12 : memref<128x64xf32, #tpu.memory_space<vmem>>) offsets(%dma_start3A_24 : memref<128xi32, #tpu.memory_space<vmem>>) semaphore(%arg17 : memref<!tpu.dma_semaphore, #tpu.memory_space<semaphore_mem>>)
    %scan3A = arith.constant 0 : i32
    %scan3A_28 = arith.constant 0 : i32
    %scan3A_29 = arith.constant 39 : i32
    %scan3A_30 = arith.addi %scan3A_28, %scan3A_29 : i32
    %scan3A_31 = arith.constant 1 : i32
    %scan3A_32 = scf.for %scan3A_65 = %scan3A_28 to %scan3A_30 step %scan3A_31 iter_args(%scan3A_66 = %scan3A) -> (i32)  : i32 {
      %mul3A_67 = arith.constant 4 : i32
      %mul3A_68 = arith.muli %scan3A_65, %mul3A_67 : i32
      %add3A = arith.constant 0 : i32
      %add3A_69 = arith.addi %mul3A_68, %add3A : i32
      %dma_wait3A_70 = arith.constant 0 : i32
      %dma_wait3A_71 = tpu.memref_slice %arg7[%add3A_69, %dma_wait3A_70] : memref<160x128xi32, #tpu.memory_space<vmem>> -> memref<1x128xi32, #tpu.memory_space<vmem>>
      %dma_wait3A_72 = tpu.memref_squeeze %dma_wait3A_71 : memref<1x128xi32, #tpu.memory_space<vmem>> -> memref<128xi32, #tpu.memory_space<vmem>>
      %dma_wait3A_73 = arith.constant 0 : i32
      %dma_wait3A_74 = arith.constant 0 : i32
      %dma_wait3A_75 = tpu.memref_slice %arg2[%dma_wait3A_73, %dma_wait3A_74] : memref<20000x64xf32, #tpu.memory_space<hbm>> -> memref<20000x64xf32, #tpu.memory_space<hbm>>
      tpu.wait_indirect_dma semaphore(%arg14 : memref<!tpu.dma_semaphore, #tpu.memory_space<semaphore_mem>>) src(%dma_wait3A_75 : memref<20000x64xf32, #tpu.memory_space<hbm>>) dst(%arg9 : memref<128x64xf32, #tpu.memory_space<vmem>>)
      "tpu.region"() ({
        %run_scoped3A_139 = tpu.sem_alloc : memref<!tpu.dma_semaphore, #tpu.memory_space<semaphore_mem>>
        %dma_start3A_140 = arith.constant 0 : i32
        %dma_start3A_141 = tpu.memref_slice %arg8[%add3A_69, %dma_start3A_140] : memref<160x128xi32, #tpu.memory_space<vmem>> -> memref<1x128xi32, #tpu.memory_space<vmem>>
        %dma_start3A_142 = tpu.memref_squeeze %dma_start3A_141 : memref<1x128xi32, #tpu.memory_space<vmem>> -> memref<128xi32, #tpu.memory_space<vmem>>
        %dma_start3A_143 = arith.constant 0 : i32
        %dma_start3A_144 = arith.constant 0 : i32
        %dma_start3A_145 = tpu.memref_slice %arg13[%dma_start3A_143, %dma_start3A_144] : memref<10112x64xf32, #tpu.memory_space<vmem_shared>> -> memref<10112x64xf32, #tpu.memory_space<vmem_shared>>
        tpu.enqueue_indirect_dma source(%arg9 : memref<128x64xf32, #tpu.memory_space<vmem>>) target(%dma_start3A_145 : memref<10112x64xf32, #tpu.memory_space<vmem_shared>>) offsets(%dma_start3A_142 : memref<128xi32, #tpu.memory_space<vmem>>) semaphore(%run_scoped3A_139 : memref<!tpu.dma_semaphore, #tpu.memory_space<semaphore_mem>>) {add = true}
        %dma_wait3A_146 = arith.constant 0 : i32
        %dma_wait3A_147 = tpu.memref_slice %arg8[%add3A_69, %dma_wait3A_146] : memref<160x128xi32, #tpu.memory_space<vmem>> -> memref<1x128xi32, #tpu.memory_space<vmem>>
        %dma_wait3A_148 = tpu.memref_squeeze %dma_wait3A_147 : memref<1x128xi32, #tpu.memory_space<vmem>> -> memref<128xi32, #tpu.memory_space<vmem>>
        %dma_wait3A_149 = arith.constant 0 : i32
        %dma_wait3A_150 = arith.constant 0 : i32
        %dma_wait3A_151 = tpu.memref_slice %arg13[%dma_wait3A_149, %dma_wait3A_150] : memref<10112x64xf32, #tpu.memory_space<vmem_shared>> -> memref<10112x64xf32, #tpu.memory_space<vmem_shared>>
        tpu.wait_indirect_dma semaphore(%run_scoped3A_139 : memref<!tpu.dma_semaphore, #tpu.memory_space<semaphore_mem>>) src(%arg9 : memref<128x64xf32, #tpu.memory_space<vmem>>) dst(%dma_wait3A_151 : memref<10112x64xf32, #tpu.memory_space<vmem_shared>>)
        tpu.yield
      }) : () -> ()
      %add3A_76 = arith.constant 4 : i32
      %add3A_77 = arith.addi %add3A_69, %add3A_76 : i32
      %dma_start3A_78 = arith.constant 0 : i32
      %dma_start3A_79 = tpu.memref_slice %arg7[%add3A_77, %dma_start3A_78] : memref<160x128xi32, #tpu.memory_space<vmem>> -> memref<1x128xi32, #tpu.memory_space<vmem>>
      %dma_start3A_80 = tpu.memref_squeeze %dma_start3A_79 : memref<1x128xi32, #tpu.memory_space<vmem>> -> memref<128xi32, #tpu.memory_space<vmem>>
      %dma_start3A_81 = arith.constant 0 : i32
      %dma_start3A_82 = arith.constant 0 : i32
      %dma_start3A_83 = tpu.memref_slice %arg2[%dma_start3A_81, %dma_start3A_82] : memref<20000x64xf32, #tpu.memory_space<hbm>> -> memref<20000x64xf32, #tpu.memory_space<hbm>>
      tpu.enqueue_indirect_dma source(%dma_start3A_83 : memref<20000x64xf32, #tpu.memory_space<hbm>>) target(%arg9 : memref<128x64xf32, #tpu.memory_space<vmem>>) offsets(%dma_start3A_80 : memref<128xi32, #tpu.memory_space<vmem>>) semaphore(%arg14 : memref<!tpu.dma_semaphore, #tpu.memory_space<semaphore_mem>>)
      %mul3A_84 = arith.constant 4 : i32
      %mul3A_85 = arith.muli %scan3A_65, %mul3A_84 : i32
      %add3A_86 = arith.constant 1 : i32
      %add3A_87 = arith.addi %mul3A_85, %add3A_86 : i32
      %dma_wait3A_88 = arith.constant 0 : i32
      %dma_wait3A_89 = tpu.memref_slice %arg7[%add3A_87, %dma_wait3A_88] : memref<160x128xi32, #tpu.memory_space<vmem>> -> memref<1x128xi32, #tpu.memory_space<vmem>>
      %dma_wait3A_90 = tpu.memref_squeeze %dma_wait3A_89 : memref<1x128xi32, #tpu.memory_space<vmem>> -> memref<128xi32, #tpu.memory_space<vmem>>
      %dma_wait3A_91 = arith.constant 0 : i32
      %dma_wait3A_92 = arith.constant 0 : i32
      %dma_wait3A_93 = tpu.memref_slice %arg2[%dma_wait3A_91, %dma_wait3A_92] : memref<20000x64xf32, #tpu.memory_space<hbm>> -> memref<20000x64xf32, #tpu.memory_space<hbm>>
      tpu.wait_indirect_dma semaphore(%arg15 : memref<!tpu.dma_semaphore, #tpu.memory_space<semaphore_mem>>) src(%dma_wait3A_93 : memref<20000x64xf32, #tpu.memory_space<hbm>>) dst(%arg10 : memref<128x64xf32, #tpu.memory_space<vmem>>)
      "tpu.region"() ({
        %run_scoped3A_139 = tpu.sem_alloc : memref<!tpu.dma_semaphore, #tpu.memory_space<semaphore_mem>>
        %dma_start3A_140 = arith.constant 0 : i32
        %dma_start3A_141 = tpu.memref_slice %arg8[%add3A_87, %dma_start3A_140] : memref<160x128xi32, #tpu.memory_space<vmem>> -> memref<1x128xi32, #tpu.memory_space<vmem>>
        %dma_start3A_142 = tpu.memref_squeeze %dma_start3A_141 : memref<1x128xi32, #tpu.memory_space<vmem>> -> memref<128xi32, #tpu.memory_space<vmem>>
        %dma_start3A_143 = arith.constant 0 : i32
        %dma_start3A_144 = arith.constant 0 : i32
        %dma_start3A_145 = tpu.memref_slice %arg13[%dma_start3A_143, %dma_start3A_144] : memref<10112x64xf32, #tpu.memory_space<vmem_shared>> -> memref<10112x64xf32, #tpu.memory_space<vmem_shared>>
        tpu.enqueue_indirect_dma source(%arg10 : memref<128x64xf32, #tpu.memory_space<vmem>>) target(%dma_start3A_145 : memref<10112x64xf32, #tpu.memory_space<vmem_shared>>) offsets(%dma_start3A_142 : memref<128xi32, #tpu.memory_space<vmem>>) semaphore(%run_scoped3A_139 : memref<!tpu.dma_semaphore, #tpu.memory_space<semaphore_mem>>) {add = true}
        %dma_wait3A_146 = arith.constant 0 : i32
        %dma_wait3A_147 = tpu.memref_slice %arg8[%add3A_87, %dma_wait3A_146] : memref<160x128xi32, #tpu.memory_space<vmem>> -> memref<1x128xi32, #tpu.memory_space<vmem>>
        %dma_wait3A_148 = tpu.memref_squeeze %dma_wait3A_147 : memref<1x128xi32, #tpu.memory_space<vmem>> -> memref<128xi32, #tpu.memory_space<vmem>>
        %dma_wait3A_149 = arith.constant 0 : i32
        %dma_wait3A_150 = arith.constant 0 : i32
        %dma_wait3A_151 = tpu.memref_slice %arg13[%dma_wait3A_149, %dma_wait3A_150] : memref<10112x64xf32, #tpu.memory_space<vmem_shared>> -> memref<10112x64xf32, #tpu.memory_space<vmem_shared>>
        tpu.wait_indirect_dma semaphore(%run_scoped3A_139 : memref<!tpu.dma_semaphore, #tpu.memory_space<semaphore_mem>>) src(%arg10 : memref<128x64xf32, #tpu.memory_space<vmem>>) dst(%dma_wait3A_151 : memref<10112x64xf32, #tpu.memory_space<vmem_shared>>)
        tpu.yield
      }) : () -> ()
      %add3A_94 = arith.constant 4 : i32
      %add3A_95 = arith.addi %add3A_87, %add3A_94 : i32
      %dma_start3A_96 = arith.constant 0 : i32
      %dma_start3A_97 = tpu.memref_slice %arg7[%add3A_95, %dma_start3A_96] : memref<160x128xi32, #tpu.memory_space<vmem>> -> memref<1x128xi32, #tpu.memory_space<vmem>>
      %dma_start3A_98 = tpu.memref_squeeze %dma_start3A_97 : memref<1x128xi32, #tpu.memory_space<vmem>> -> memref<128xi32, #tpu.memory_space<vmem>>
      %dma_start3A_99 = arith.constant 0 : i32
      %dma_start3A_100 = arith.constant 0 : i32
      %dma_start3A_101 = tpu.memref_slice %arg2[%dma_start3A_99, %dma_start3A_100] : memref<20000x64xf32, #tpu.memory_space<hbm>> -> memref<20000x64xf32, #tpu.memory_space<hbm>>
      tpu.enqueue_indirect_dma source(%dma_start3A_101 : memref<20000x64xf32, #tpu.memory_space<hbm>>) target(%arg10 : memref<128x64xf32, #tpu.memory_space<vmem>>) offsets(%dma_start3A_98 : memref<128xi32, #tpu.memory_space<vmem>>) semaphore(%arg15 : memref<!tpu.dma_semaphore, #tpu.memory_space<semaphore_mem>>)
      %mul3A_102 = arith.constant 4 : i32
      %mul3A_103 = arith.muli %scan3A_65, %mul3A_102 : i32
      %add3A_104 = arith.constant 2 : i32
      %add3A_105 = arith.addi %mul3A_103, %add3A_104 : i32
      %dma_wait3A_106 = arith.constant 0 : i32
      %dma_wait3A_107 = tpu.memref_slice %arg7[%add3A_105, %dma_wait3A_106] : memref<160x128xi32, #tpu.memory_space<vmem>> -> memref<1x128xi32, #tpu.memory_space<vmem>>
      %dma_wait3A_108 = tpu.memref_squeeze %dma_wait3A_107 : memref<1x128xi32, #tpu.memory_space<vmem>> -> memref<128xi32, #tpu.memory_space<vmem>>
      %dma_wait3A_109 = arith.constant 0 : i32
      %dma_wait3A_110 = arith.constant 0 : i32
      %dma_wait3A_111 = tpu.memref_slice %arg2[%dma_wait3A_109, %dma_wait3A_110] : memref<20000x64xf32, #tpu.memory_space<hbm>> -> memref<20000x64xf32, #tpu.memory_space<hbm>>
      tpu.wait_indirect_dma semaphore(%arg16 : memref<!tpu.dma_semaphore, #tpu.memory_space<semaphore_mem>>) src(%dma_wait3A_111 : memref<20000x64xf32, #tpu.memory_space<hbm>>) dst(%arg11 : memref<128x64xf32, #tpu.memory_space<vmem>>)
      "tpu.region"() ({
        %run_scoped3A_139 = tpu.sem_alloc : memref<!tpu.dma_semaphore, #tpu.memory_space<semaphore_mem>>
        %dma_start3A_140 = arith.constant 0 : i32
        %dma_start3A_141 = tpu.memref_slice %arg8[%add3A_105, %dma_start3A_140] : memref<160x128xi32, #tpu.memory_space<vmem>> -> memref<1x128xi32, #tpu.memory_space<vmem>>
        %dma_start3A_142 = tpu.memref_squeeze %dma_start3A_141 : memref<1x128xi32, #tpu.memory_space<vmem>> -> memref<128xi32, #tpu.memory_space<vmem>>
        %dma_start3A_143 = arith.constant 0 : i32
        %dma_start3A_144 = arith.constant 0 : i32
        %dma_start3A_145 = tpu.memref_slice %arg13[%dma_start3A_143, %dma_start3A_144] : memref<10112x64xf32, #tpu.memory_space<vmem_shared>> -> memref<10112x64xf32, #tpu.memory_space<vmem_shared>>
        tpu.enqueue_indirect_dma source(%arg11 : memref<128x64xf32, #tpu.memory_space<vmem>>) target(%dma_start3A_145 : memref<10112x64xf32, #tpu.memory_space<vmem_shared>>) offsets(%dma_start3A_142 : memref<128xi32, #tpu.memory_space<vmem>>) semaphore(%run_scoped3A_139 : memref<!tpu.dma_semaphore, #tpu.memory_space<semaphore_mem>>) {add = true}
        %dma_wait3A_146 = arith.constant 0 : i32
        %dma_wait3A_147 = tpu.memref_slice %arg8[%add3A_105, %dma_wait3A_146] : memref<160x128xi32, #tpu.memory_space<vmem>> -> memref<1x128xi32, #tpu.memory_space<vmem>>
        %dma_wait3A_148 = tpu.memref_squeeze %dma_wait3A_147 : memref<1x128xi32, #tpu.memory_space<vmem>> -> memref<128xi32, #tpu.memory_space<vmem>>
        %dma_wait3A_149 = arith.constant 0 : i32
        %dma_wait3A_150 = arith.constant 0 : i32
        %dma_wait3A_151 = tpu.memref_slice %arg13[%dma_wait3A_149, %dma_wait3A_150] : memref<10112x64xf32, #tpu.memory_space<vmem_shared>> -> memref<10112x64xf32, #tpu.memory_space<vmem_shared>>
        tpu.wait_indirect_dma semaphore(%run_scoped3A_139 : memref<!tpu.dma_semaphore, #tpu.memory_space<semaphore_mem>>) src(%arg11 : memref<128x64xf32, #tpu.memory_space<vmem>>) dst(%dma_wait3A_151 : memref<10112x64xf32, #tpu.memory_space<vmem_shared>>)
        tpu.yield
      }) : () -> ()
      %add3A_112 = arith.constant 4 : i32
      %add3A_113 = arith.addi %add3A_105, %add3A_112 : i32
      %dma_start3A_114 = arith.constant 0 : i32
      %dma_start3A_115 = tpu.memref_slice %arg7[%add3A_113, %dma_start3A_114] : memref<160x128xi32, #tpu.memory_space<vmem>> -> memref<1x128xi32, #tpu.memory_space<vmem>>
      %dma_start3A_116 = tpu.memref_squeeze %dma_start3A_115 : memref<1x128xi32, #tpu.memory_space<vmem>> -> memref<128xi32, #tpu.memory_space<vmem>>
      %dma_start3A_117 = arith.constant 0 : i32
      %dma_start3A_118 = arith.constant 0 : i32
      %dma_start3A_119 = tpu.memref_slice %arg2[%dma_start3A_117, %dma_start3A_118] : memref<20000x64xf32, #tpu.memory_space<hbm>> -> memref<20000x64xf32, #tpu.memory_space<hbm>>
      tpu.enqueue_indirect_dma source(%dma_start3A_119 : memref<20000x64xf32, #tpu.memory_space<hbm>>) target(%arg11 : memref<128x64xf32, #tpu.memory_space<vmem>>) offsets(%dma_start3A_116 : memref<128xi32, #tpu.memory_space<vmem>>) semaphore(%arg16 : memref<!tpu.dma_semaphore, #tpu.memory_space<semaphore_mem>>)
      %mul3A_120 = arith.constant 4 : i32
      %mul3A_121 = arith.muli %scan3A_65, %mul3A_120 : i32
      %add3A_122 = arith.constant 3 : i32
      %add3A_123 = arith.addi %mul3A_121, %add3A_122 : i32
      %dma_wait3A_124 = arith.constant 0 : i32
      %dma_wait3A_125 = tpu.memref_slice %arg7[%add3A_123, %dma_wait3A_124] : memref<160x128xi32, #tpu.memory_space<vmem>> -> memref<1x128xi32, #tpu.memory_space<vmem>>
      %dma_wait3A_126 = tpu.memref_squeeze %dma_wait3A_125 : memref<1x128xi32, #tpu.memory_space<vmem>> -> memref<128xi32, #tpu.memory_space<vmem>>
      %dma_wait3A_127 = arith.constant 0 : i32
      %dma_wait3A_128 = arith.constant 0 : i32
      %dma_wait3A_129 = tpu.memref_slice %arg2[%dma_wait3A_127, %dma_wait3A_128] : memref<20000x64xf32, #tpu.memory_space<hbm>> -> memref<20000x64xf32, #tpu.memory_space<hbm>>
      tpu.wait_indirect_dma semaphore(%arg17 : memref<!tpu.dma_semaphore, #tpu.memory_space<semaphore_mem>>) src(%dma_wait3A_129 : memref<20000x64xf32, #tpu.memory_space<hbm>>) dst(%arg12 : memref<128x64xf32, #tpu.memory_space<vmem>>)
      "tpu.region"() ({
        %run_scoped3A_139 = tpu.sem_alloc : memref<!tpu.dma_semaphore, #tpu.memory_space<semaphore_mem>>
        %dma_start3A_140 = arith.constant 0 : i32
        %dma_start3A_141 = tpu.memref_slice %arg8[%add3A_123, %dma_start3A_140] : memref<160x128xi32, #tpu.memory_space<vmem>> -> memref<1x128xi32, #tpu.memory_space<vmem>>
        %dma_start3A_142 = tpu.memref_squeeze %dma_start3A_141 : memref<1x128xi32, #tpu.memory_space<vmem>> -> memref<128xi32, #tpu.memory_space<vmem>>
        %dma_start3A_143 = arith.constant 0 : i32
        %dma_start3A_144 = arith.constant 0 : i32
        %dma_start3A_145 = tpu.memref_slice %arg13[%dma_start3A_143, %dma_start3A_144] : memref<10112x64xf32, #tpu.memory_space<vmem_shared>> -> memref<10112x64xf32, #tpu.memory_space<vmem_shared>>
        tpu.enqueue_indirect_dma source(%arg12 : memref<128x64xf32, #tpu.memory_space<vmem>>) target(%dma_start3A_145 : memref<10112x64xf32, #tpu.memory_space<vmem_shared>>) offsets(%dma_start3A_142 : memref<128xi32, #tpu.memory_space<vmem>>) semaphore(%run_scoped3A_139 : memref<!tpu.dma_semaphore, #tpu.memory_space<semaphore_mem>>) {add = true}
        %dma_wait3A_146 = arith.constant 0 : i32
        %dma_wait3A_147 = tpu.memref_slice %arg8[%add3A_123, %dma_wait3A_146] : memref<160x128xi32, #tpu.memory_space<vmem>> -> memref<1x128xi32, #tpu.memory_space<vmem>>
        %dma_wait3A_148 = tpu.memref_squeeze %dma_wait3A_147 : memref<1x128xi32, #tpu.memory_space<vmem>> -> memref<128xi32, #tpu.memory_space<vmem>>
        %dma_wait3A_149 = arith.constant 0 : i32
        %dma_wait3A_150 = arith.constant 0 : i32
        %dma_wait3A_151 = tpu.memref_slice %arg13[%dma_wait3A_149, %dma_wait3A_150] : memref<10112x64xf32, #tpu.memory_space<vmem_shared>> -> memref<10112x64xf32, #tpu.memory_space<vmem_shared>>
        tpu.wait_indirect_dma semaphore(%run_scoped3A_139 : memref<!tpu.dma_semaphore, #tpu.memory_space<semaphore_mem>>) src(%arg12 : memref<128x64xf32, #tpu.memory_space<vmem>>) dst(%dma_wait3A_151 : memref<10112x64xf32, #tpu.memory_space<vmem_shared>>)
        tpu.yield
      }) : () -> ()
      %add3A_130 = arith.constant 4 : i32
      %add3A_131 = arith.addi %add3A_123, %add3A_130 : i32
      %dma_start3A_132 = arith.constant 0 : i32
      %dma_start3A_133 = tpu.memref_slice %arg7[%add3A_131, %dma_start3A_132] : memref<160x128xi32, #tpu.memory_space<vmem>> -> memref<1x128xi32, #tpu.memory_space<vmem>>
      %dma_start3A_134 = tpu.memref_squeeze %dma_start3A_133 : memref<1x128xi32, #tpu.memory_space<vmem>> -> memref<128xi32, #tpu.memory_space<vmem>>
      %dma_start3A_135 = arith.constant 0 : i32
      %dma_start3A_136 = arith.constant 0 : i32
      %dma_start3A_137 = tpu.memref_slice %arg2[%dma_start3A_135, %dma_start3A_136] : memref<20000x64xf32, #tpu.memory_space<hbm>> -> memref<20000x64xf32, #tpu.memory_space<hbm>>
      tpu.enqueue_indirect_dma source(%dma_start3A_137 : memref<20000x64xf32, #tpu.memory_space<hbm>>) target(%arg12 : memref<128x64xf32, #tpu.memory_space<vmem>>) offsets(%dma_start3A_134 : memref<128xi32, #tpu.memory_space<vmem>>) semaphore(%arg17 : memref<!tpu.dma_semaphore, #tpu.memory_space<semaphore_mem>>)
      %scan3A_138 = arith.constant 0 : i32
      scf.yield %scan3A_138 : i32
    }
    %scan3A_33 = arith.constant 39 : i32
    %dma_wait3A = arith.constant 156 : i32
    %dma_wait3A_34 = arith.constant 0 : i32
    %dma_wait3A_35 = tpu.memref_slice %arg7[%dma_wait3A, %dma_wait3A_34] : memref<160x128xi32, #tpu.memory_space<vmem>> -> memref<1x128xi32, #tpu.memory_space<vmem>>
    %dma_wait3A_36 = tpu.memref_squeeze %dma_wait3A_35 : memref<1x128xi32, #tpu.memory_space<vmem>> -> memref<128xi32, #tpu.memory_space<vmem>>
    %dma_wait3A_37 = arith.constant 0 : i32
    %dma_wait3A_38 = arith.constant 0 : i32
    %dma_wait3A_39 = tpu.memref_slice %arg2[%dma_wait3A_37, %dma_wait3A_38] : memref<20000x64xf32, #tpu.memory_space<hbm>> -> memref<20000x64xf32, #tpu.memory_space<hbm>>
    tpu.wait_indirect_dma semaphore(%arg14 : memref<!tpu.dma_semaphore, #tpu.memory_space<semaphore_mem>>) src(%dma_wait3A_39 : memref<20000x64xf32, #tpu.memory_space<hbm>>) dst(%arg9 : memref<128x64xf32, #tpu.memory_space<vmem>>)
    %run_scoped3A = arith.constant 156 : i32
    "tpu.region"() ({
      %run_scoped3A_65 = tpu.sem_alloc : memref<!tpu.dma_semaphore, #tpu.memory_space<semaphore_mem>>
      %dma_start3A_66 = arith.constant 0 : i32
      %dma_start3A_67 = tpu.memref_slice %arg8[%run_scoped3A, %dma_start3A_66] : memref<160x128xi32, #tpu.memory_space<vmem>> -> memref<1x128xi32, #tpu.memory_space<vmem>>
      %dma_start3A_68 = tpu.memref_squeeze %dma_start3A_67 : memref<1x128xi32, #tpu.memory_space<vmem>> -> memref<128xi32, #tpu.memory_space<vmem>>
      %dma_start3A_69 = arith.constant 0 : i32
      %dma_start3A_70 = arith.constant 0 : i32
      %dma_start3A_71 = tpu.memref_slice %arg13[%dma_start3A_69, %dma_start3A_70] : memref<10112x64xf32, #tpu.memory_space<vmem_shared>> -> memref<10112x64xf32, #tpu.memory_space<vmem_shared>>
      tpu.enqueue_indirect_dma source(%arg9 : memref<128x64xf32, #tpu.memory_space<vmem>>) target(%dma_start3A_71 : memref<10112x64xf32, #tpu.memory_space<vmem_shared>>) offsets(%dma_start3A_68 : memref<128xi32, #tpu.memory_space<vmem>>) semaphore(%run_scoped3A_65 : memref<!tpu.dma_semaphore, #tpu.memory_space<semaphore_mem>>) {add = true}
      %dma_wait3A_72 = arith.constant 0 : i32
      %dma_wait3A_73 = tpu.memref_slice %arg8[%run_scoped3A, %dma_wait3A_72] : memref<160x128xi32, #tpu.memory_space<vmem>> -> memref<1x128xi32, #tpu.memory_space<vmem>>
      %dma_wait3A_74 = tpu.memref_squeeze %dma_wait3A_73 : memref<1x128xi32, #tpu.memory_space<vmem>> -> memref<128xi32, #tpu.memory_space<vmem>>
      %dma_wait3A_75 = arith.constant 0 : i32
      %dma_wait3A_76 = arith.constant 0 : i32
      %dma_wait3A_77 = tpu.memref_slice %arg13[%dma_wait3A_75, %dma_wait3A_76] : memref<10112x64xf32, #tpu.memory_space<vmem_shared>> -> memref<10112x64xf32, #tpu.memory_space<vmem_shared>>
      tpu.wait_indirect_dma semaphore(%run_scoped3A_65 : memref<!tpu.dma_semaphore, #tpu.memory_space<semaphore_mem>>) src(%arg9 : memref<128x64xf32, #tpu.memory_space<vmem>>) dst(%dma_wait3A_77 : memref<10112x64xf32, #tpu.memory_space<vmem_shared>>)
      tpu.yield
    }) : () -> ()
    %dma_wait3A_40 = arith.constant 157 : i32
    %dma_wait3A_41 = arith.constant 0 : i32
    %dma_wait3A_42 = tpu.memref_slice %arg7[%dma_wait3A_40, %dma_wait3A_41] : memref<160x128xi32, #tpu.memory_space<vmem>> -> memref<1x128xi32, #tpu.memory_space<vmem>>
    %dma_wait3A_43 = tpu.memref_squeeze %dma_wait3A_42 : memref<1x128xi32, #tpu.memory_space<vmem>> -> memref<128xi32, #tpu.memory_space<vmem>>
    %dma_wait3A_44 = arith.constant 0 : i32
    %dma_wait3A_45 = arith.constant 0 : i32
    %dma_wait3A_46 = tpu.memref_slice %arg2[%dma_wait3A_44, %dma_wait3A_45] : memref<20000x64xf32, #tpu.memory_space<hbm>> -> memref<20000x64xf32, #tpu.memory_space<hbm>>
    tpu.wait_indirect_dma semaphore(%arg15 : memref<!tpu.dma_semaphore, #tpu.memory_space<semaphore_mem>>) src(%dma_wait3A_46 : memref<20000x64xf32, #tpu.memory_space<hbm>>) dst(%arg10 : memref<128x64xf32, #tpu.memory_space<vmem>>)
    %run_scoped3A_47 = arith.constant 157 : i32
    "tpu.region"() ({
      %run_scoped3A_65 = tpu.sem_alloc : memref<!tpu.dma_semaphore, #tpu.memory_space<semaphore_mem>>
      %dma_start3A_66 = arith.constant 0 : i32
      %dma_start3A_67 = tpu.memref_slice %arg8[%run_scoped3A_47, %dma_start3A_66] : memref<160x128xi32, #tpu.memory_space<vmem>> -> memref<1x128xi32, #tpu.memory_space<vmem>>
      %dma_start3A_68 = tpu.memref_squeeze %dma_start3A_67 : memref<1x128xi32, #tpu.memory_space<vmem>> -> memref<128xi32, #tpu.memory_space<vmem>>
      %dma_start3A_69 = arith.constant 0 : i32
      %dma_start3A_70 = arith.constant 0 : i32
      %dma_start3A_71 = tpu.memref_slice %arg13[%dma_start3A_69, %dma_start3A_70] : memref<10112x64xf32, #tpu.memory_space<vmem_shared>> -> memref<10112x64xf32, #tpu.memory_space<vmem_shared>>
      tpu.enqueue_indirect_dma source(%arg10 : memref<128x64xf32, #tpu.memory_space<vmem>>) target(%dma_start3A_71 : memref<10112x64xf32, #tpu.memory_space<vmem_shared>>) offsets(%dma_start3A_68 : memref<128xi32, #tpu.memory_space<vmem>>) semaphore(%run_scoped3A_65 : memref<!tpu.dma_semaphore, #tpu.memory_space<semaphore_mem>>) {add = true}
      %dma_wait3A_72 = arith.constant 0 : i32
      %dma_wait3A_73 = tpu.memref_slice %arg8[%run_scoped3A_47, %dma_wait3A_72] : memref<160x128xi32, #tpu.memory_space<vmem>> -> memref<1x128xi32, #tpu.memory_space<vmem>>
      %dma_wait3A_74 = tpu.memref_squeeze %dma_wait3A_73 : memref<1x128xi32, #tpu.memory_space<vmem>> -> memref<128xi32, #tpu.memory_space<vmem>>
      %dma_wait3A_75 = arith.constant 0 : i32
      %dma_wait3A_76 = arith.constant 0 : i32
      %dma_wait3A_77 = tpu.memref_slice %arg13[%dma_wait3A_75, %dma_wait3A_76] : memref<10112x64xf32, #tpu.memory_space<vmem_shared>> -> memref<10112x64xf32, #tpu.memory_space<vmem_shared>>
      tpu.wait_indirect_dma semaphore(%run_scoped3A_65 : memref<!tpu.dma_semaphore, #tpu.memory_space<semaphore_mem>>) src(%arg10 : memref<128x64xf32, #tpu.memory_space<vmem>>) dst(%dma_wait3A_77 : memref<10112x64xf32, #tpu.memory_space<vmem_shared>>)
      tpu.yield
    }) : () -> ()
    %dma_wait3A_48 = arith.constant 158 : i32
    %dma_wait3A_49 = arith.constant 0 : i32
    %dma_wait3A_50 = tpu.memref_slice %arg7[%dma_wait3A_48, %dma_wait3A_49] : memref<160x128xi32, #tpu.memory_space<vmem>> -> memref<1x128xi32, #tpu.memory_space<vmem>>
    %dma_wait3A_51 = tpu.memref_squeeze %dma_wait3A_50 : memref<1x128xi32, #tpu.memory_space<vmem>> -> memref<128xi32, #tpu.memory_space<vmem>>
    %dma_wait3A_52 = arith.constant 0 : i32
    %dma_wait3A_53 = arith.constant 0 : i32
    %dma_wait3A_54 = tpu.memref_slice %arg2[%dma_wait3A_52, %dma_wait3A_53] : memref<20000x64xf32, #tpu.memory_space<hbm>> -> memref<20000x64xf32, #tpu.memory_space<hbm>>
    tpu.wait_indirect_dma semaphore(%arg16 : memref<!tpu.dma_semaphore, #tpu.memory_space<semaphore_mem>>) src(%dma_wait3A_54 : memref<20000x64xf32, #tpu.memory_space<hbm>>) dst(%arg11 : memref<128x64xf32, #tpu.memory_space<vmem>>)
    %run_scoped3A_55 = arith.constant 158 : i32
    "tpu.region"() ({
      %run_scoped3A_65 = tpu.sem_alloc : memref<!tpu.dma_semaphore, #tpu.memory_space<semaphore_mem>>
      %dma_start3A_66 = arith.constant 0 : i32
      %dma_start3A_67 = tpu.memref_slice %arg8[%run_scoped3A_55, %dma_start3A_66] : memref<160x128xi32, #tpu.memory_space<vmem>> -> memref<1x128xi32, #tpu.memory_space<vmem>>
      %dma_start3A_68 = tpu.memref_squeeze %dma_start3A_67 : memref<1x128xi32, #tpu.memory_space<vmem>> -> memref<128xi32, #tpu.memory_space<vmem>>
      %dma_start3A_69 = arith.constant 0 : i32
      %dma_start3A_70 = arith.constant 0 : i32
      %dma_start3A_71 = tpu.memref_slice %arg13[%dma_start3A_69, %dma_start3A_70] : memref<10112x64xf32, #tpu.memory_space<vmem_shared>> -> memref<10112x64xf32, #tpu.memory_space<vmem_shared>>
      tpu.enqueue_indirect_dma source(%arg11 : memref<128x64xf32, #tpu.memory_space<vmem>>) target(%dma_start3A_71 : memref<10112x64xf32, #tpu.memory_space<vmem_shared>>) offsets(%dma_start3A_68 : memref<128xi32, #tpu.memory_space<vmem>>) semaphore(%run_scoped3A_65 : memref<!tpu.dma_semaphore, #tpu.memory_space<semaphore_mem>>) {add = true}
      %dma_wait3A_72 = arith.constant 0 : i32
      %dma_wait3A_73 = tpu.memref_slice %arg8[%run_scoped3A_55, %dma_wait3A_72] : memref<160x128xi32, #tpu.memory_space<vmem>> -> memref<1x128xi32, #tpu.memory_space<vmem>>
      %dma_wait3A_74 = tpu.memref_squeeze %dma_wait3A_73 : memref<1x128xi32, #tpu.memory_space<vmem>> -> memref<128xi32, #tpu.memory_space<vmem>>
      %dma_wait3A_75 = arith.constant 0 : i32
      %dma_wait3A_76 = arith.constant 0 : i32
      %dma_wait3A_77 = tpu.memref_slice %arg13[%dma_wait3A_75, %dma_wait3A_76] : memref<10112x64xf32, #tpu.memory_space<vmem_shared>> -> memref<10112x64xf32, #tpu.memory_space<vmem_shared>>
      tpu.wait_indirect_dma semaphore(%run_scoped3A_65 : memref<!tpu.dma_semaphore, #tpu.memory_space<semaphore_mem>>) src(%arg11 : memref<128x64xf32, #tpu.memory_space<vmem>>) dst(%dma_wait3A_77 : memref<10112x64xf32, #tpu.memory_space<vmem_shared>>)
      tpu.yield
    }) : () -> ()
    %dma_wait3A_56 = arith.constant 159 : i32
    %dma_wait3A_57 = arith.constant 0 : i32
    %dma_wait3A_58 = tpu.memref_slice %arg7[%dma_wait3A_56, %dma_wait3A_57] : memref<160x128xi32, #tpu.memory_space<vmem>> -> memref<1x128xi32, #tpu.memory_space<vmem>>
    %dma_wait3A_59 = tpu.memref_squeeze %dma_wait3A_58 : memref<1x128xi32, #tpu.memory_space<vmem>> -> memref<128xi32, #tpu.memory_space<vmem>>
    %dma_wait3A_60 = arith.constant 0 : i32
    %dma_wait3A_61 = arith.constant 0 : i32
    %dma_wait3A_62 = tpu.memref_slice %arg2[%dma_wait3A_60, %dma_wait3A_61] : memref<20000x64xf32, #tpu.memory_space<hbm>> -> memref<20000x64xf32, #tpu.memory_space<hbm>>
    tpu.wait_indirect_dma semaphore(%arg17 : memref<!tpu.dma_semaphore, #tpu.memory_space<semaphore_mem>>) src(%dma_wait3A_62 : memref<20000x64xf32, #tpu.memory_space<hbm>>) dst(%arg12 : memref<128x64xf32, #tpu.memory_space<vmem>>)
    %run_scoped3A_63 = arith.constant 159 : i32
    "tpu.region"() ({
      %run_scoped3A_65 = tpu.sem_alloc : memref<!tpu.dma_semaphore, #tpu.memory_space<semaphore_mem>>
      %dma_start3A_66 = arith.constant 0 : i32
      %dma_start3A_67 = tpu.memref_slice %arg8[%run_scoped3A_63, %dma_start3A_66] : memref<160x128xi32, #tpu.memory_space<vmem>> -> memref<1x128xi32, #tpu.memory_space<vmem>>
      %dma_start3A_68 = tpu.memref_squeeze %dma_start3A_67 : memref<1x128xi32, #tpu.memory_space<vmem>> -> memref<128xi32, #tpu.memory_space<vmem>>
      %dma_start3A_69 = arith.constant 0 : i32
      %dma_start3A_70 = arith.constant 0 : i32
      %dma_start3A_71 = tpu.memref_slice %arg13[%dma_start3A_69, %dma_start3A_70] : memref<10112x64xf32, #tpu.memory_space<vmem_shared>> -> memref<10112x64xf32, #tpu.memory_space<vmem_shared>>
      tpu.enqueue_indirect_dma source(%arg12 : memref<128x64xf32, #tpu.memory_space<vmem>>) target(%dma_start3A_71 : memref<10112x64xf32, #tpu.memory_space<vmem_shared>>) offsets(%dma_start3A_68 : memref<128xi32, #tpu.memory_space<vmem>>) semaphore(%run_scoped3A_65 : memref<!tpu.dma_semaphore, #tpu.memory_space<semaphore_mem>>) {add = true}
      %dma_wait3A_72 = arith.constant 0 : i32
      %dma_wait3A_73 = tpu.memref_slice %arg8[%run_scoped3A_63, %dma_wait3A_72] : memref<160x128xi32, #tpu.memory_space<vmem>> -> memref<1x128xi32, #tpu.memory_space<vmem>>
      %dma_wait3A_74 = tpu.memref_squeeze %dma_wait3A_73 : memref<1x128xi32, #tpu.memory_space<vmem>> -> memref<128xi32, #tpu.memory_space<vmem>>
      %dma_wait3A_75 = arith.constant 0 : i32
      %dma_wait3A_76 = arith.constant 0 : i32
      %dma_wait3A_77 = tpu.memref_slice %arg13[%dma_wait3A_75, %dma_wait3A_76] : memref<10112x64xf32, #tpu.memory_space<vmem_shared>> -> memref<10112x64xf32, #tpu.memory_space<vmem_shared>>
      tpu.wait_indirect_dma semaphore(%run_scoped3A_65 : memref<!tpu.dma_semaphore, #tpu.memory_space<semaphore_mem>>) src(%arg12 : memref<128x64xf32, #tpu.memory_space<vmem>>) dst(%dma_wait3A_77 : memref<10112x64xf32, #tpu.memory_space<vmem_shared>>)
      tpu.yield
    }) : () -> ()
    %barrier3A_64 = arith.constant 0 : index
    tpu.barrier barrier_id(%barrier3A_64)
    "tpu.region"() ({
      %run_scoped3A_65 = tpu.sem_alloc : memref<!tpu.dma_semaphore, #tpu.memory_space<semaphore_mem>>
      %dma_start3A_66 = arith.constant 0 : i32
      %dma_start3A_67 = tpu.memref_slice %arg6[%arg0, %mul3A_0, %dma_start3A_66] : memref<2x10112x64xf32, #tpu.memory_space<hbm>> -> memref<1x632x64xf32, #tpu.memory_space<hbm>>
      %dma_start3A_68 = tpu.memref_squeeze %dma_start3A_67 : memref<1x632x64xf32, #tpu.memory_space<hbm>> -> memref<632x64xf32, #tpu.memory_space<hbm>>
      %dma_start3A_69 = arith.constant 0 : i32
      %dma_start3A_70 = tpu.memref_slice %arg13[%mul3A_0, %dma_start3A_69] : memref<10112x64xf32, #tpu.memory_space<vmem_shared>> -> memref<632x64xf32, #tpu.memory_space<vmem_shared>>
      tpu.enqueue_dma source(%dma_start3A_70 : memref<632x64xf32, #tpu.memory_space<vmem_shared>>) target(%dma_start3A_68 : memref<632x64xf32, #tpu.memory_space<hbm>>) target_semaphore(%run_scoped3A_65 : memref<!tpu.dma_semaphore, #tpu.memory_space<semaphore_mem>>)
      %dma_wait3A_71 = arith.constant 0 : i32
      %dma_wait3A_72 = tpu.memref_slice %arg6[%arg0, %mul3A_0, %dma_wait3A_71] : memref<2x10112x64xf32, #tpu.memory_space<hbm>> -> memref<1x632x64xf32, #tpu.memory_space<hbm>>
      %dma_wait3A_73 = tpu.memref_squeeze %dma_wait3A_72 : memref<1x632x64xf32, #tpu.memory_space<hbm>> -> memref<632x64xf32, #tpu.memory_space<hbm>>
      %dma_wait3A_74 = arith.constant 0 : i32
      %dma_wait3A_75 = tpu.memref_slice %arg13[%mul3A_0, %dma_wait3A_74] : memref<10112x64xf32, #tpu.memory_space<vmem_shared>> -> memref<632x64xf32, #tpu.memory_space<vmem_shared>>
      tpu.wait_dma2 semaphore(%run_scoped3A_65 : memref<!tpu.dma_semaphore, #tpu.memory_space<semaphore_mem>>) src(%dma_wait3A_75 : memref<632x64xf32, #tpu.memory_space<vmem_shared>>) dst(%dma_wait3A_73 : memref<632x64xf32, #tpu.memory_space<hbm>>)
      tpu.yield
    }) : () -> ()
    return
  }
}

#map = affine_map<(d0, d1) -> (0, 0, 0)>
#map1 = affine_map<(d0, d1) -> (0, 0)>
module attributes {stable_mosaic.version = 14 : i64} {
  func.func @deg_kernel(%arg0: i32, %arg1: i32, %arg2: memref<32x80x128xi32, #tpu.memory_space<hbm>>, %arg3: memref<632x16xf32, #tpu.memory_space<hbm>>, %arg4: memref<128x16xf32, #tpu.memory_space<hbm>>, %arg5: memref<2x10112x16xf32, #tpu.memory_space<hbm>>, %arg6: memref<80x128xi32, #tpu.memory_space<vmem>>, %arg7: memref<128x16xf32, #tpu.memory_space<vmem>>, %arg8: memref<10112x16xf32, #tpu.memory_space<vmem_shared>>) attributes {dimension_semantics = [#tpu.dimension_semantics<core_parallel>, #tpu.dimension_semantics<subcore_parallel>], iteration_bounds = array<i64: 2, 16>, scalar_prefetch = 0 : i64, scratch_operands = 3 : i64, tpu.core_type = #tpu.core_type<sc_vector_subcore>, window_params = [{transform_indices = #map}, {transform_indices = #map1}, {transform_indices = #map1}, {transform_indices = #map}]} {
    %mul3A = arith.constant 16 : i32
    %mul3A_0 = arith.muli %arg0, %mul3A : i32
    %add3A = arith.addi %mul3A_0, %arg1 : i32
    "tpu.region"() ({
      %run_scoped3A = tpu.sem_alloc : memref<!tpu.dma_semaphore, #tpu.memory_space<semaphore_mem>>
      %dma_start3A = arith.constant 0 : i32
      %dma_start3A_10 = arith.constant 0 : i32
      %dma_start3A_11 = tpu.memref_slice %arg2[%add3A, %dma_start3A, %dma_start3A_10] : memref<32x80x128xi32, #tpu.memory_space<hbm>> -> memref<1x80x128xi32, #tpu.memory_space<hbm>>
      %dma_start3A_12 = tpu.memref_squeeze %dma_start3A_11 : memref<1x80x128xi32, #tpu.memory_space<hbm>> -> memref<80x128xi32, #tpu.memory_space<hbm>>
      %dma_start3A_13 = arith.constant 0 : i32
      %dma_start3A_14 = arith.constant 0 : i32
      %dma_start3A_15 = tpu.memref_slice %arg2[%add3A, %dma_start3A_13, %dma_start3A_14] : memref<32x80x128xi32, #tpu.memory_space<hbm>> -> memref<1x80x128xi32, #tpu.memory_space<hbm>>
      %dma_start3A_16 = tpu.memref_squeeze %dma_start3A_15 : memref<1x80x128xi32, #tpu.memory_space<hbm>> -> memref<80x128xi32, #tpu.memory_space<hbm>>
      tpu.enqueue_dma source(%dma_start3A_16 : memref<80x128xi32, #tpu.memory_space<hbm>>) target(%arg6 : memref<80x128xi32, #tpu.memory_space<vmem>>) target_semaphore(%run_scoped3A : memref<!tpu.dma_semaphore, #tpu.memory_space<semaphore_mem>>)
      %dma_wait3A = arith.constant 0 : i32
      %dma_wait3A_17 = arith.constant 0 : i32
      %dma_wait3A_18 = tpu.memref_slice %arg2[%add3A, %dma_wait3A, %dma_wait3A_17] : memref<32x80x128xi32, #tpu.memory_space<hbm>> -> memref<1x80x128xi32, #tpu.memory_space<hbm>>
      %dma_wait3A_19 = tpu.memref_squeeze %dma_wait3A_18 : memref<1x80x128xi32, #tpu.memory_space<hbm>> -> memref<80x128xi32, #tpu.memory_space<hbm>>
      %dma_wait3A_20 = arith.constant 0 : i32
      %dma_wait3A_21 = arith.constant 0 : i32
      %dma_wait3A_22 = tpu.memref_slice %arg2[%add3A, %dma_wait3A_20, %dma_wait3A_21] : memref<32x80x128xi32, #tpu.memory_space<hbm>> -> memref<1x80x128xi32, #tpu.memory_space<hbm>>
      %dma_wait3A_23 = tpu.memref_squeeze %dma_wait3A_22 : memref<1x80x128xi32, #tpu.memory_space<hbm>> -> memref<80x128xi32, #tpu.memory_space<hbm>>
      tpu.wait_dma2 semaphore(%run_scoped3A : memref<!tpu.dma_semaphore, #tpu.memory_space<semaphore_mem>>) src(%dma_wait3A_23 : memref<80x128xi32, #tpu.memory_space<hbm>>) dst(%arg6 : memref<80x128xi32, #tpu.memory_space<vmem>>)
      tpu.yield
    }) : () -> ()
    "tpu.region"() ({
      %run_scoped3A = tpu.sem_alloc : memref<!tpu.dma_semaphore, #tpu.memory_space<semaphore_mem>>
      tpu.enqueue_dma source(%arg4 : memref<128x16xf32, #tpu.memory_space<hbm>>) target(%arg7 : memref<128x16xf32, #tpu.memory_space<vmem>>) target_semaphore(%run_scoped3A : memref<!tpu.dma_semaphore, #tpu.memory_space<semaphore_mem>>)
      tpu.wait_dma2 semaphore(%run_scoped3A : memref<!tpu.dma_semaphore, #tpu.memory_space<semaphore_mem>>) src(%arg4 : memref<128x16xf32, #tpu.memory_space<hbm>>) dst(%arg7 : memref<128x16xf32, #tpu.memory_space<vmem>>)
      tpu.yield
    }) : () -> ()
    %mul3A_1 = arith.constant 632 : i32
    %mul3A_2 = arith.muli %arg1, %mul3A_1 : i32
    "tpu.region"() ({
      %run_scoped3A = tpu.sem_alloc : memref<!tpu.dma_semaphore, #tpu.memory_space<semaphore_mem>>
      %dma_start3A = arith.constant 0 : i32
      %dma_start3A_10 = tpu.memref_slice %arg8[%mul3A_2, %dma_start3A] : memref<10112x16xf32, #tpu.memory_space<vmem_shared>> -> memref<632x16xf32, #tpu.memory_space<vmem_shared>>
      tpu.enqueue_dma source(%arg3 : memref<632x16xf32, #tpu.memory_space<hbm>>) target(%dma_start3A_10 : memref<632x16xf32, #tpu.memory_space<vmem_shared>>) target_semaphore(%run_scoped3A : memref<!tpu.dma_semaphore, #tpu.memory_space<semaphore_mem>>)
      %dma_wait3A = arith.constant 0 : i32
      %dma_wait3A_11 = tpu.memref_slice %arg8[%mul3A_2, %dma_wait3A] : memref<10112x16xf32, #tpu.memory_space<vmem_shared>> -> memref<632x16xf32, #tpu.memory_space<vmem_shared>>
      tpu.wait_dma2 semaphore(%run_scoped3A : memref<!tpu.dma_semaphore, #tpu.memory_space<semaphore_mem>>) src(%arg3 : memref<632x16xf32, #tpu.memory_space<hbm>>) dst(%dma_wait3A_11 : memref<632x16xf32, #tpu.memory_space<vmem_shared>>)
      tpu.yield
    }) : () -> ()
    %barrier3A = arith.constant 0 : index
    tpu.barrier barrier_id(%barrier3A)
    %scan3A = arith.constant 0 : i32
    %scan3A_3 = arith.constant 0 : i32
    %scan3A_4 = arith.constant 80 : i32
    %scan3A_5 = arith.addi %scan3A_3, %scan3A_4 : i32
    %scan3A_6 = arith.constant 1 : i32
    %scan3A_7 = scf.for %scan3A_10 = %scan3A_3 to %scan3A_5 step %scan3A_6 iter_args(%scan3A_11 = %scan3A) -> (i32)  : i32 {
      "tpu.region"() ({
        %run_scoped3A = tpu.sem_alloc : memref<!tpu.dma_semaphore, #tpu.memory_space<semaphore_mem>>
        %dma_start3A = arith.constant 0 : i32
        %dma_start3A_13 = tpu.memref_slice %arg6[%scan3A_10, %dma_start3A] : memref<80x128xi32, #tpu.memory_space<vmem>> -> memref<1x128xi32, #tpu.memory_space<vmem>>
        %dma_start3A_14 = tpu.memref_squeeze %dma_start3A_13 : memref<1x128xi32, #tpu.memory_space<vmem>> -> memref<128xi32, #tpu.memory_space<vmem>>
        %dma_start3A_15 = arith.constant 0 : i32
        %dma_start3A_16 = arith.constant 0 : i32
        %dma_start3A_17 = tpu.memref_slice %arg8[%dma_start3A_15, %dma_start3A_16] : memref<10112x16xf32, #tpu.memory_space<vmem_shared>> -> memref<10112x16xf32, #tpu.memory_space<vmem_shared>>
        tpu.enqueue_indirect_dma source(%arg7 : memref<128x16xf32, #tpu.memory_space<vmem>>) target(%dma_start3A_17 : memref<10112x16xf32, #tpu.memory_space<vmem_shared>>) offsets(%dma_start3A_14 : memref<128xi32, #tpu.memory_space<vmem>>) semaphore(%run_scoped3A : memref<!tpu.dma_semaphore, #tpu.memory_space<semaphore_mem>>) {add = true}
        %dma_wait3A = arith.constant 0 : i32
        %dma_wait3A_18 = tpu.memref_slice %arg6[%scan3A_10, %dma_wait3A] : memref<80x128xi32, #tpu.memory_space<vmem>> -> memref<1x128xi32, #tpu.memory_space<vmem>>
        %dma_wait3A_19 = tpu.memref_squeeze %dma_wait3A_18 : memref<1x128xi32, #tpu.memory_space<vmem>> -> memref<128xi32, #tpu.memory_space<vmem>>
        %dma_wait3A_20 = arith.constant 0 : i32
        %dma_wait3A_21 = arith.constant 0 : i32
        %dma_wait3A_22 = tpu.memref_slice %arg8[%dma_wait3A_20, %dma_wait3A_21] : memref<10112x16xf32, #tpu.memory_space<vmem_shared>> -> memref<10112x16xf32, #tpu.memory_space<vmem_shared>>
        tpu.wait_indirect_dma semaphore(%run_scoped3A : memref<!tpu.dma_semaphore, #tpu.memory_space<semaphore_mem>>) src(%arg7 : memref<128x16xf32, #tpu.memory_space<vmem>>) dst(%dma_wait3A_22 : memref<10112x16xf32, #tpu.memory_space<vmem_shared>>)
        tpu.yield
      }) : () -> ()
      %scan3A_12 = arith.constant 0 : i32
      scf.yield %scan3A_12 : i32
    }
    %scan3A_8 = arith.constant 80 : i32
    %barrier3A_9 = arith.constant 0 : index
    tpu.barrier barrier_id(%barrier3A_9)
    "tpu.region"() ({
      %run_scoped3A = tpu.sem_alloc : memref<!tpu.dma_semaphore, #tpu.memory_space<semaphore_mem>>
      %dma_start3A = arith.constant 0 : i32
      %dma_start3A_10 = tpu.memref_slice %arg5[%arg0, %mul3A_2, %dma_start3A] : memref<2x10112x16xf32, #tpu.memory_space<hbm>> -> memref<1x632x16xf32, #tpu.memory_space<hbm>>
      %dma_start3A_11 = tpu.memref_squeeze %dma_start3A_10 : memref<1x632x16xf32, #tpu.memory_space<hbm>> -> memref<632x16xf32, #tpu.memory_space<hbm>>
      %dma_start3A_12 = arith.constant 0 : i32
      %dma_start3A_13 = tpu.memref_slice %arg8[%mul3A_2, %dma_start3A_12] : memref<10112x16xf32, #tpu.memory_space<vmem_shared>> -> memref<632x16xf32, #tpu.memory_space<vmem_shared>>
      tpu.enqueue_dma source(%dma_start3A_13 : memref<632x16xf32, #tpu.memory_space<vmem_shared>>) target(%dma_start3A_11 : memref<632x16xf32, #tpu.memory_space<hbm>>) target_semaphore(%run_scoped3A : memref<!tpu.dma_semaphore, #tpu.memory_space<semaphore_mem>>)
      %dma_wait3A = arith.constant 0 : i32
      %dma_wait3A_14 = tpu.memref_slice %arg5[%arg0, %mul3A_2, %dma_wait3A] : memref<2x10112x16xf32, #tpu.memory_space<hbm>> -> memref<1x632x16xf32, #tpu.memory_space<hbm>>
      %dma_wait3A_15 = tpu.memref_squeeze %dma_wait3A_14 : memref<1x632x16xf32, #tpu.memory_space<hbm>> -> memref<632x16xf32, #tpu.memory_space<hbm>>
      %dma_wait3A_16 = arith.constant 0 : i32
      %dma_wait3A_17 = tpu.memref_slice %arg8[%mul3A_2, %dma_wait3A_16] : memref<10112x16xf32, #tpu.memory_space<vmem_shared>> -> memref<632x16xf32, #tpu.memory_space<vmem_shared>>
      tpu.wait_dma2 semaphore(%run_scoped3A : memref<!tpu.dma_semaphore, #tpu.memory_space<semaphore_mem>>) src(%dma_wait3A_17 : memref<632x16xf32, #tpu.memory_space<vmem_shared>>) dst(%dma_wait3A_15 : memref<632x16xf32, #tpu.memory_space<hbm>>)
      tpu.yield
    }) : () -> ()
    return
  }
}

module attributes {stable_mosaic.version = 14 : i64} {
  func.func @body(%arg0: i32, %arg1: memref<1000x128xf32, #tpu.memory_space<vmem>>, %arg2: memref<128x128xf32, #tpu.memory_space<vmem>>, %arg3: memref<1000x1xf32, #tpu.memory_space<vmem>>, %arg4: memref<1000x1xf32, #tpu.memory_space<vmem>>, %arg5: memref<1000x1xf32, #tpu.memory_space<vmem>>, %arg6: memref<1000x128xf32, #tpu.memory_space<vmem>>) attributes {dimension_semantics = [#tpu.dimension_semantics<arbitrary>], iteration_bounds = array<i64: 10>, scalar_prefetch = 0 : i64, scratch_operands = 0 : i64, tpu.core_type = #tpu.core_type<tc>, window_params = [{transform_indices = @transform_0, window_bounds = array<i64: 1000, 128>}, {pipeline_mode = #tpu.pipeline_mode<synchronous>, transform_indices = @transform_1, window_bounds = array<i64: 128, 128>}, {transform_indices = @transform_2, window_bounds = array<i64: 1000, 1>}, {transform_indices = @transform_3, window_bounds = array<i64: 1000, 1>}, {transform_indices = @transform_4, window_bounds = array<i64: 1000, 1>}, {transform_indices = @transform_5, window_bounds = array<i64: 1000, 128>}]} {
    %get3A = arith.constant 0 : index
    %get3A_0 = arith.constant 0 : index
    %get3A_1 = vector.load %arg3[%get3A, %get3A_0] : memref<1000x1xf32, #tpu.memory_space<vmem>>, vector<1000x1xf32>
    %get3A_2 = arith.constant 0 : index
    %get3A_3 = arith.constant 0 : index
    %get3A_4 = vector.load %arg4[%get3A_2, %get3A_3] : memref<1000x1xf32, #tpu.memory_space<vmem>>, vector<1000x1xf32>
    %add3A = arith.addf %get3A_1, %get3A_4 : vector<1000x1xf32>
    %add3A_5 = arith.constant 1.000000e+00 : f32
    %add3A_6 = vector.broadcast %add3A_5 : f32 to vector<1000x1xf32>
    %add3A_7 = arith.addf %add3A, %add3A_6 : vector<1000x1xf32>
    %rsqrt3A = math.rsqrt %add3A_7 : vector<1000x1xf32>
    %swap3A = arith.constant 0 : index
    %swap3A_8 = arith.constant 0 : index
    %swap3A_9 = vector.load %arg5[%swap3A, %swap3A_8] : memref<1000x1xf32, #tpu.memory_space<vmem>>, vector<1000x1xf32>
    tpu.vector_store %arg5[%swap3A, %swap3A_8], %rsqrt3A {strides = array<i32>} : memref<1000x1xf32, #tpu.memory_space<vmem>>, vector<1000x1xf32>,
    %get3A_10 = arith.constant 0 : index
    %get3A_11 = arith.constant 0 : index
    %get3A_12 = vector.load %arg1[%get3A_10, %get3A_11] : memref<1000x128xf32, #tpu.memory_space<vmem>>, vector<1000x128xf32>
    %get3A_13 = arith.constant 0 : index
    %get3A_14 = arith.constant 0 : index
    %get3A_15 = vector.load %arg2[%get3A_13, %get3A_14] : memref<128x128xf32, #tpu.memory_space<vmem>>, vector<128x128xf32>
    %dot_general3A = arith.constant dense<0.000000e+00> : vector<1000x128xf32>
    %dot_general3A_16 = tpu.matmul %get3A_12, %get3A_15, %dot_general3A {dimension_numbers = #tpu.dot_dimension_numbers<[1], [1], [0], [0], [0, 0, 1, 0], [], []>, transpose_lhs_hint = false} : vector<1000x128xf32>, vector<128x128xf32>, vector<1000x128xf32> -> vector<1000x128xf32>
    %mul3A = vector.broadcast %rsqrt3A : vector<1000x1xf32> to vector<1000x128xf32>
    %mul3A_17 = arith.mulf %dot_general3A_16, %mul3A : vector<1000x128xf32>
    %swap3A_18 = arith.constant 0 : index
    %swap3A_19 = arith.constant 0 : index
    %swap3A_20 = vector.load %arg6[%swap3A_18, %swap3A_19] : memref<1000x128xf32, #tpu.memory_space<vmem>>, vector<1000x128xf32>
    tpu.vector_store %arg6[%swap3A_18, %swap3A_19], %mul3A_17 {strides = array<i32>} : memref<1000x128xf32, #tpu.memory_space<vmem>>, vector<1000x128xf32>,
    return
  }
  func.func @transform_0(%arg0: i32) -> (i32, i32) {
    %c0_i32 = arith.constant 0 : i32
    %c0_i32_0 = arith.constant 0 : i32
    return %arg0, %c0_i32 : i32, i32
  }
  func.func @transform_1(%arg0: i32) -> (i32, i32) {
    %c0_i32 = arith.constant 0 : i32
    %c0_i32_0 = arith.constant 0 : i32
    %c0_i32_1 = arith.constant 0 : i32
    return %c0_i32, %c0_i32_0 : i32, i32
  }
  func.func @transform_2(%arg0: i32) -> (i32, i32) {
    %c0_i32 = arith.constant 0 : i32
    %c0_i32_0 = arith.constant 0 : i32
    return %arg0, %c0_i32 : i32, i32
  }
  func.func @transform_3(%arg0: i32) -> (i32, i32) {
    %c0_i32 = arith.constant 0 : i32
    %c0_i32_0 = arith.constant 0 : i32
    return %arg0, %c0_i32 : i32, i32
  }
  func.func @transform_4(%arg0: i32) -> (i32, i32) {
    %c0_i32 = arith.constant 0 : i32
    %c0_i32_0 = arith.constant 0 : i32
    return %arg0, %c0_i32 : i32, i32
  }
  func.func @transform_5(%arg0: i32) -> (i32, i32) {
    %c0_i32 = arith.constant 0 : i32
    %c0_i32_0 = arith.constant 0 : i32
    return %arg0, %c0_i32 : i32, i32
  }
}

module attributes {stable_mosaic.version = 14 : i64} {
  func.func @body(%arg0: i32, %arg1: memref<1000x64xf32, #tpu.memory_space<vmem>>, %arg2: memref<1000x64xf32, #tpu.memory_space<vmem>>, %arg3: memref<1000x128xf32, #tpu.memory_space<vmem>>, %arg4: memref<1000x1xf32, #tpu.memory_space<vmem>>, %arg5: memref<1x128xf32, #tpu.memory_space<vmem>>, %arg6: memref<1x1xf32, #tpu.memory_space<vmem>>, %arg7: memref<1000x128xf32, #tpu.memory_space<vmem>>) attributes {dimension_semantics = [#tpu.dimension_semantics<arbitrary>], iteration_bounds = array<i64: 10>, scalar_prefetch = 0 : i64, scratch_operands = 0 : i64, tpu.core_type = #tpu.core_type<tc>, window_params = [{transform_indices = @transform_0, window_bounds = array<i64: 1000, 64>}, {transform_indices = @transform_1, window_bounds = array<i64: 1000, 64>}, {transform_indices = @transform_2, window_bounds = array<i64: 1000, 128>}, {transform_indices = @transform_3, window_bounds = array<i64: 1000, 1>}, {pipeline_mode = #tpu.pipeline_mode<synchronous>, transform_indices = @transform_4, window_bounds = array<i64: 1, 128>}, {pipeline_mode = #tpu.pipeline_mode<synchronous>, transform_indices = @transform_5, window_bounds = array<i64: 1, 1>}, {transform_indices = @transform_6, window_bounds = array<i64: 1000, 128>}]} {
    %get3A = arith.constant 0 : index
    %get3A_0 = arith.constant 0 : index
    %get3A_1 = vector.load %arg1[%get3A, %get3A_0] : memref<1000x64xf32, #tpu.memory_space<vmem>>, vector<1000x64xf32>
    %get3A_2 = arith.constant 0 : index
    %get3A_3 = arith.constant 0 : index
    %get3A_4 = vector.load %arg2[%get3A_2, %get3A_3] : memref<1000x64xf32, #tpu.memory_space<vmem>>, vector<1000x64xf32>
    %concatenate3A = tpu.concatenate %get3A_1, %get3A_4 in 1 : vector<1000x64xf32>, vector<1000x64xf32> -> vector<1000x128xf32>
    %get3A_5 = arith.constant 0 : index
    %get3A_6 = arith.constant 0 : index
    %get3A_7 = vector.load %arg3[%get3A_5, %get3A_6] : memref<1000x128xf32, #tpu.memory_space<vmem>>, vector<1000x128xf32>
    %add3A = arith.addf %concatenate3A, %get3A_7 : vector<1000x128xf32>
    %get3A_8 = arith.constant 0 : index
    %get3A_9 = arith.constant 0 : index
    %get3A_10 = vector.load %arg4[%get3A_8, %get3A_9] : memref<1000x1xf32, #tpu.memory_space<vmem>>, vector<1000x1xf32>
    %mul3A = vector.broadcast %get3A_10 : vector<1000x1xf32> to vector<1000x128xf32>
    %mul3A_11 = arith.mulf %add3A, %mul3A : vector<1000x128xf32>
    %get3A_12 = arith.constant 0 : index
    %get3A_13 = arith.constant 0 : index
    %get3A_14 = vector.load %arg5[%get3A_12, %get3A_13] : memref<1x128xf32, #tpu.memory_space<vmem>>, vector<1x128xf32>
    %add3A_15 = vector.broadcast %get3A_14 : vector<1x128xf32> to vector<1000x128xf32>
    %add3A_16 = arith.addf %mul3A_11, %add3A_15 : vector<1000x128xf32>
    %ge3A = arith.constant 0.000000e+00 : f32
    %ge3A_17 = vector.broadcast %ge3A : f32 to vector<1000x128xf32>
    %ge3A_18 = arith.cmpf oge, %add3A_16, %ge3A_17 : vector<1000x128xf32>
    %get3A_19 = arith.constant 0 : index
    %get3A_20 = arith.constant 0 : index
    %get3A_21 = vector.load %arg6[%get3A_19, %get3A_20] : memref<1x1xf32, #tpu.memory_space<vmem>>, vector<1x1xf32>
    %get3A_22 = vector.extract %get3A_21[0, 0] : f32 from vector<1x1xf32>
    %mul3A_23 = vector.broadcast %get3A_22 : f32 to vector<1000x128xf32>
    %mul3A_24 = arith.mulf %mul3A_23, %add3A_16 : vector<1000x128xf32>
    %select_n3A = arith.select %ge3A_18, %add3A_16, %mul3A_24 : vector<1000x128xi1>, vector<1000x128xf32>
    %swap3A = arith.constant 0 : index
    %swap3A_25 = arith.constant 0 : index
    %swap3A_26 = vector.load %arg7[%swap3A, %swap3A_25] : memref<1000x128xf32, #tpu.memory_space<vmem>>, vector<1000x128xf32>
    tpu.vector_store %arg7[%swap3A, %swap3A_25], %select_n3A {strides = array<i32>} : memref<1000x128xf32, #tpu.memory_space<vmem>>, vector<1000x128xf32>,
    return
  }
  func.func @transform_0(%arg0: i32) -> (i32, i32) {
    %c0_i32 = arith.constant 0 : i32
    %c0_i32_0 = arith.constant 0 : i32
    return %arg0, %c0_i32 : i32, i32
  }
  func.func @transform_1(%arg0: i32) -> (i32, i32) {
    %c0_i32 = arith.constant 0 : i32
    %c0_i32_0 = arith.constant 0 : i32
    return %arg0, %c0_i32 : i32, i32
  }
  func.func @transform_2(%arg0: i32) -> (i32, i32) {
    %c0_i32 = arith.constant 0 : i32
    %c0_i32_0 = arith.constant 0 : i32
    return %arg0, %c0_i32 : i32, i32
  }
  func.func @transform_3(%arg0: i32) -> (i32, i32) {
    %c0_i32 = arith.constant 0 : i32
    %c0_i32_0 = arith.constant 0 : i32
    return %arg0, %c0_i32 : i32, i32
  }
  func.func @transform_4(%arg0: i32) -> (i32, i32) {
    %c0_i32 = arith.constant 0 : i32
    %c0_i32_0 = arith.constant 0 : i32
    %c0_i32_1 = arith.constant 0 : i32
    return %c0_i32, %c0_i32_0 : i32, i32
  }
  func.func @transform_5(%arg0: i32) -> (i32, i32) {
    %c0_i32 = arith.constant 0 : i32
    %c0_i32_0 = arith.constant 0 : i32
    %c0_i32_1 = arith.constant 0 : i32
    return %c0_i32, %c0_i32_0 : i32, i32
  }
  func.func @transform_6(%arg0: i32) -> (i32, i32) {
    %c0_i32 = arith.constant 0 : i32
    %c0_i32_0 = arith.constant 0 : i32
    return %arg0, %c0_i32 : i32, i32
  }
}

module attributes {stable_mosaic.version = 14 : i64} {
  func.func @body(%arg0: i32, %arg1: memref<1000x64xf32, #tpu.memory_space<vmem>>, %arg2: memref<1000x64xf32, #tpu.memory_space<vmem>>, %arg3: memref<1000x128xf32, #tpu.memory_space<vmem>>, %arg4: memref<1000x1xf32, #tpu.memory_space<vmem>>, %arg5: memref<1x128xf32, #tpu.memory_space<vmem>>, %arg6: memref<1x1xf32, #tpu.memory_space<vmem>>, %arg7: memref<128x128xf32, #tpu.memory_space<vmem>>, %arg8: memref<1000x128xf32, #tpu.memory_space<vmem>>) attributes {dimension_semantics = [#tpu.dimension_semantics<arbitrary>], iteration_bounds = array<i64: 10>, scalar_prefetch = 0 : i64, scratch_operands = 0 : i64, tpu.core_type = #tpu.core_type<tc>, window_params = [{transform_indices = @transform_0, window_bounds = array<i64: 1000, 64>}, {transform_indices = @transform_1, window_bounds = array<i64: 1000, 64>}, {transform_indices = @transform_2, window_bounds = array<i64: 1000, 128>}, {transform_indices = @transform_3, window_bounds = array<i64: 1000, 1>}, {pipeline_mode = #tpu.pipeline_mode<synchronous>, transform_indices = @transform_4, window_bounds = array<i64: 1, 128>}, {pipeline_mode = #tpu.pipeline_mode<synchronous>, transform_indices = @transform_5, window_bounds = array<i64: 1, 1>}, {pipeline_mode = #tpu.pipeline_mode<synchronous>, transform_indices = @transform_6, window_bounds = array<i64: 128, 128>}, {transform_indices = @transform_7, window_bounds = array<i64: 1000, 128>}]} {
    %get3A = arith.constant 0 : index
    %get3A_0 = arith.constant 0 : index
    %get3A_1 = vector.load %arg4[%get3A, %get3A_0] : memref<1000x1xf32, #tpu.memory_space<vmem>>, vector<1000x1xf32>
    %get3A_2 = arith.constant 0 : index
    %get3A_3 = arith.constant 0 : index
    %get3A_4 = vector.load %arg1[%get3A_2, %get3A_3] : memref<1000x64xf32, #tpu.memory_space<vmem>>, vector<1000x64xf32>
    %get3A_5 = arith.constant 0 : index
    %get3A_6 = arith.constant 0 : index
    %get3A_7 = vector.load %arg2[%get3A_5, %get3A_6] : memref<1000x64xf32, #tpu.memory_space<vmem>>, vector<1000x64xf32>
    %concatenate3A = tpu.concatenate %get3A_4, %get3A_7 in 1 : vector<1000x64xf32>, vector<1000x64xf32> -> vector<1000x128xf32>
    %get3A_8 = arith.constant 0 : index
    %get3A_9 = arith.constant 0 : index
    %get3A_10 = vector.load %arg3[%get3A_8, %get3A_9] : memref<1000x128xf32, #tpu.memory_space<vmem>>, vector<1000x128xf32>
    %add3A = arith.addf %concatenate3A, %get3A_10 : vector<1000x128xf32>
    %mul3A = vector.broadcast %get3A_1 : vector<1000x1xf32> to vector<1000x128xf32>
    %mul3A_11 = arith.mulf %add3A, %mul3A : vector<1000x128xf32>
    %get3A_12 = arith.constant 0 : index
    %get3A_13 = arith.constant 0 : index
    %get3A_14 = vector.load %arg5[%get3A_12, %get3A_13] : memref<1x128xf32, #tpu.memory_space<vmem>>, vector<1x128xf32>
    %add3A_15 = vector.broadcast %get3A_14 : vector<1x128xf32> to vector<1000x128xf32>
    %add3A_16 = arith.addf %mul3A_11, %add3A_15 : vector<1000x128xf32>
    %ge3A = arith.constant 0.000000e+00 : f32
    %ge3A_17 = vector.broadcast %ge3A : f32 to vector<1000x128xf32>
    %ge3A_18 = arith.cmpf oge, %add3A_16, %ge3A_17 : vector<1000x128xf32>
    %get3A_19 = arith.constant 0 : index
    %get3A_20 = arith.constant 0 : index
    %get3A_21 = vector.load %arg6[%get3A_19, %get3A_20] : memref<1x1xf32, #tpu.memory_space<vmem>>, vector<1x1xf32>
    %get3A_22 = vector.extract %get3A_21[0, 0] : f32 from vector<1x1xf32>
    %mul3A_23 = vector.broadcast %get3A_22 : f32 to vector<1000x128xf32>
    %mul3A_24 = arith.mulf %mul3A_23, %add3A_16 : vector<1000x128xf32>
    %select_n3A = arith.select %ge3A_18, %add3A_16, %mul3A_24 : vector<1000x128xi1>, vector<1000x128xf32>
    %get3A_25 = arith.constant 0 : index
    %get3A_26 = arith.constant 0 : index
    %get3A_27 = vector.load %arg7[%get3A_25, %get3A_26] : memref<128x128xf32, #tpu.memory_space<vmem>>, vector<128x128xf32>
    %dot_general3A = arith.constant dense<0.000000e+00> : vector<1000x128xf32>
    %dot_general3A_28 = tpu.matmul %select_n3A, %get3A_27, %dot_general3A {dimension_numbers = #tpu.dot_dimension_numbers<[1], [1], [0], [0], [0, 0, 1, 0], [], []>, transpose_lhs_hint = false} : vector<1000x128xf32>, vector<128x128xf32>, vector<1000x128xf32> -> vector<1000x128xf32>
    %mul3A_29 = vector.broadcast %get3A_1 : vector<1000x1xf32> to vector<1000x128xf32>
    %mul3A_30 = arith.mulf %dot_general3A_28, %mul3A_29 : vector<1000x128xf32>
    %swap3A = arith.constant 0 : index
    %swap3A_31 = arith.constant 0 : index
    %swap3A_32 = vector.load %arg8[%swap3A, %swap3A_31] : memref<1000x128xf32, #tpu.memory_space<vmem>>, vector<1000x128xf32>
    tpu.vector_store %arg8[%swap3A, %swap3A_31], %mul3A_30 {strides = array<i32>} : memref<1000x128xf32, #tpu.memory_space<vmem>>, vector<1000x128xf32>,
    return
  }
  func.func @transform_0(%arg0: i32) -> (i32, i32) {
    %c0_i32 = arith.constant 0 : i32
    %c0_i32_0 = arith.constant 0 : i32
    return %arg0, %c0_i32 : i32, i32
  }
  func.func @transform_1(%arg0: i32) -> (i32, i32) {
    %c0_i32 = arith.constant 0 : i32
    %c0_i32_0 = arith.constant 0 : i32
    return %arg0, %c0_i32 : i32, i32
  }
  func.func @transform_2(%arg0: i32) -> (i32, i32) {
    %c0_i32 = arith.constant 0 : i32
    %c0_i32_0 = arith.constant 0 : i32
    return %arg0, %c0_i32 : i32, i32
  }
  func.func @transform_3(%arg0: i32) -> (i32, i32) {
    %c0_i32 = arith.constant 0 : i32
    %c0_i32_0 = arith.constant 0 : i32
    return %arg0, %c0_i32 : i32, i32
  }
  func.func @transform_4(%arg0: i32) -> (i32, i32) {
    %c0_i32 = arith.constant 0 : i32
    %c0_i32_0 = arith.constant 0 : i32
    %c0_i32_1 = arith.constant 0 : i32
    return %c0_i32, %c0_i32_0 : i32, i32
  }
  func.func @transform_5(%arg0: i32) -> (i32, i32) {
    %c0_i32 = arith.constant 0 : i32
    %c0_i32_0 = arith.constant 0 : i32
    %c0_i32_1 = arith.constant 0 : i32
    return %c0_i32, %c0_i32_0 : i32, i32
  }
  func.func @transform_6(%arg0: i32) -> (i32, i32) {
    %c0_i32 = arith.constant 0 : i32
    %c0_i32_0 = arith.constant 0 : i32
    %c0_i32_1 = arith.constant 0 : i32
    return %c0_i32, %c0_i32_0 : i32, i32
  }
  func.func @transform_7(%arg0: i32) -> (i32, i32) {
    %c0_i32 = arith.constant 0 : i32
    %c0_i32_0 = arith.constant 0 : i32
    return %arg0, %c0_i32 : i32, i32
  }
}

</mosaic_0001>

<sc_bundles>
// kernel: kernel.11.cloned.1.call-start
scs
__scs_entry_jumppad:
0x0: {  	(pc) =	sbr.rel $0x88, $3  }
0x1: {  	(tag) =	ssettag $0x0;
	lr =	simm.s32 $0x1  }
0x2: {  	[smem:$0x3F99] =	sst lr;
	_ =	strace $0xD0000000  }
0x3: {  	_ = 	snop  }
0x4: {  	_ = 	snop  }
0x5: {  	_ = 	snop  }
0x6: {  	_ = 	snop  }
0x7: {  	_ = 	snop  }
__scs_overlays_trampoline_lowered:
0x8: {  	[smem:$0x3FA8] =	sst s0  }
0x9: {  	[smem:$0x3FA9] =	sst s1  }
0xa: {  	[smem:$0x3FAA] =	sst s2  }
0xb: {  	[smem:$0x3FAB] =	sst s3  }
0xc: {  	[smem:$0x3FAC] =	sst s4  }
0xd: {  	[smem:$0x3FAD] =	sst s5  }
0xe: {  	[smem:$0x3FAE] =	sst s6  }
0xf: {  	[smem:$0x3FAF] =	sst s7  }
0x10: {  	[smem:$0x3FB0] =	sst s8  }
0x11: {  	[smem:$0x3FB1] =	sst s9;
	s0 =	simm.s32 @!p0 $0x0  }
0x12: {  	s1 =	sld [smem:$0x3F97];
	s0 =	simm.s32 @p0 $0x1  }
0x13: {  	[smem:$0x3FB2] =	sst s0;
	s0 =	simm.s32 @!p1 $0x0  }
0x14: {  	s2 =	sld [smem:$0x3F96];
	s0 =	simm.s32 @p1 $0x1  }
0x15: {  	[smem:$0x3FB3] =	sst s0;
	s0 =	simm.s32 @!p2 $0x0  }
0x16: {  	s3 =	sld [smem:$0x3FDB];
	s0 =	simm.s32 @p2 $0x1  }
0x17: {  	s4 =	simm.s32 $0x1BF5;
	[smem:$0x3FB5] =	sst s0  }
0x18: {  	s0 =	sld [smem:$0x3F98];
	_ =	swait.ge [sflag:s4], $0x0  }
0x19: {  	s7 =	sld [smem:$0x3F99]  }
0x1a: {  	s8 =	sadd.s32 $0xFFFFE003, lr  }
0x1b: {  	s9 =	sadd.s32 $0xFFFFFEF7, lr;
	s5 =	simm.s32 $0xFFFFFFFF;
	p2 =	slt.u32 s8, $0xFFFFF086  }
0x1c: {  	p1 =	slt.u32 s9, $0xF7A;
	s5 =	simm.s32 @!p2 $0x0  }
0x1d: {  	s5 =	simm.s32 @p1 $0x1;
	p0 =	seq.s32 s7, s2  }
0x1e: {  	s7 =	smul.u32 @!p0 $0xF7A, s2;
	p2 =	seq.s32 @!p0 s5, $0x0  }
0x1f: {  	s9 =	smul.u32 $0xF7A, s1;
	s8 =	simm.s32 @!p0 $0x1BF5;
	p2 =	por !p2, p0  }
0x20: {  	[sflag:s8] =	ssyncset.s32 @!p0 $0xFFFFF086;
	s6 =	sadd.s32 @!p0 s3, s7;
	s7 =	simm.s32 @!p0 $0x108  }
0x21: {  	s3 =	sadd.s32 s3, s9;
	s6 =	sadd.s32 @!p0 $0x88, s6;
	s7 =	simm.s32 @p2 $0x1082  }
0x22: {  	[simem:s7], [sflag:s8] =	dma.local @!p0 [hbm:s6], $0xF7A  }
0x23: {  	s9 =	sor.u32 $0xD0000000, s2;
	s6 =	simm.s32 $0x108;
	_ =	swait.ge @!p0 [sflag:s8], $0x0  }
0x24: {  	s3 =	sadd.s32 $0x88, s3;
	s6 =	simm.s32 @!p1 $0x1082;
	[sflag:s4] =	ssyncset.s32 $0xFFFFF086  }
0x25: {  	[simem:s6], [sflag:s4] =	dma.local [hbm:s3], $0xF7A  }
0x26: {  	[smem:$0x3F99] =	sst s1;
	(tag) =	ssettag s2;
	_ =	strace s9  }
0x27: {  	s1 =	sld [smem:$0x3FA9]  }
0x28: {  	s2 =	sld [smem:$0x3FAA]  }
0x29: {  	s4 =	sld [smem:$0x3FAC]  }
0x2a: {  	p0 =	seq.s32 s5, $0x0;
	s5 =	sld [smem:$0x3FAD]  }
0x2b: {  	s6 =	sld [smem:$0x3FAE]  }
0x2c: {  	s7 =	sld [smem:$0x3FAF]  }
0x2d: {  	s3 =	simm.s32 $0x108;
	s8 =	sld [smem:$0x3FB0]  }
0x2e: {  	s3 =	simm.s32 @!p0 $0x1082;
	s9 =	sld [smem:$0x3FB1]  }
0x2f: {  	lr =	sadd.s32 s0, s3;
	s0 =	sld [smem:$0x3FA8]  }
0x30: {  	s3 =	sld [smem:$0x3FAB]  }
0x31: {  	[smem:$0x3FB4] =	sst s10  }
0x32: {  	s10 =	sld [smem:$0x3FB2];
	_ =	sdelay $0x3  }
0x33: {  	p0 =	seq.s32 s10, $0x1;
	s10 =	sld [smem:$0x3FB4];
	_ =	sdelay $0x3  }
0x34: {  	[smem:$0x3FB4] =	sst s10  }
0x35: {  	s10 =	sld [smem:$0x3FB3];
	_ =	sdelay $0x3  }
0x36: {  	p1 =	seq.s32 s10, $0x1;
	s10 =	sld [smem:$0x3FB4];
	_ =	sdelay $0x3  }
0x37: {  	[smem:$0x3FB4] =	sst s10  }
0x38: {  	s10 =	sld [smem:$0x3FB5]  }
0x39: {  	_ = 	snop;
	(pc) =	sbr.ind lr, $3  }
0x3a: {  	_ = 	snop  }
0x3b: {  	_ = 	snop  }
0x3c: {  	p2 =	seq.s32 s10, $0x1;
	s10 =	sld [smem:$0x3FB4]  }
0x3d: {  	_ =	shalt  }
0x3e: {  	_ =	shalt  }
0x3f: {  	_ =	shalt  }
0x40: {  	_ =	shalt  }
0x41: {  	_ =	shalt  }
0x42: {  	_ =	shalt  }
0x43: {  	_ =	shalt  }
0x44: {  	_ =	shalt  }
0x45: {  	_ =	shalt  }
0x46: {  	_ =	shalt  }
0x47: {  	_ =	shalt  }
0x48: {  	_ =	shalt  }
0x49: {  	_ =	shalt  }
0x4a: {  	_ =	shalt  }
0x4b: {  	_ =	shalt  }
0x4c: {  	_ =	shalt  }
0x4d: {  	_ =	shalt  }
0x4e: {  	_ =	shalt  }
0x4f: {  	_ =	shalt  }
0x50: {  	_ =	shalt  }
0x51: {  	_ =	shalt  }
0x52: {  	_ =	shalt  }
0x53: {  	_ =	shalt  }
0x54: {  	_ =	shalt  }
0x55: {  	_ =	shalt  }
0x56: {  	_ =	shalt  }
0x57: {  	_ =	shalt  }
0x58: {  	_ =	shalt  }
0x59: {  	_ =	shalt  }
0x5a: {  	_ =	shalt  }
0x5b: {  	_ =	shalt  }
0x5c: {  	_ =	shalt  }
0x5d: {  	_ =	shalt  }
0x5e: {  	_ =	shalt  }
0x5f: {  	_ =	shalt  }
0x60: {  	_ =	shalt  }
0x61: {  	_ =	shalt  }
0x62: {  	_ =	shalt  }
0x63: {  	_ =	shalt  }
0x64: {  	_ =	shalt  }
0x65: {  	_ =	shalt  }
0x66: {  	_ =	shalt  }
0x67: {  	_ =	shalt  }
0x68: {  	_ =	shalt  }
0x69: {  	_ =	shalt  }
0x6a: {  	_ =	shalt  }
0x6b: {  	_ =	shalt  }
0x6c: {  	_ =	shalt  }
0x6d: {  	_ =	shalt  }
0x6e: {  	_ =	shalt  }
0x6f: {  	_ =	shalt  }
0x70: {  	_ =	shalt  }
0x71: {  	_ =	shalt  }
0x72: {  	_ =	shalt  }
0x73: {  	_ =	shalt  }
0x74: {  	_ =	shalt  }
0x75: {  	_ =	shalt  }
0x76: {  	_ =	shalt  }
0x77: {  	_ =	shalt  }
0x78: {  	_ =	shalt  }
0x79: {  	_ =	shalt  }
0x7a: {  	_ =	shalt  }
0x7b: {  	_ =	shalt  }
0x7c: {  	_ =	shalt  }
0x7d: {  	_ =	shalt  }
0x7e: {  	_ =	shalt  }
0x7f: {  	_ =	shalt  }
0x80: {  	_ =	shalt  }
0x81: {  	_ =	shalt  }
0x82: {  	_ =	shalt  }
0x83: {  	_ =	shalt  }
0x84: {  	_ =	shalt  }
0x85: {  	_ =	shalt  }
0x86: {  	_ =	shalt  }
0x87: {  	_ =	shalt  }
.Lfunc_end0:
.L_simem_size_0:
called_computation.1_lowered:
.L_overlay_start_0:
0x88: {  	s2 =	sld [smem:$0x3FD9]  }
0x89: {  	s3 =	sld [smem:$0x3FFE];
	_ =	sdelay $0x1  }
0x8a: {  	s1 =	srdreg.scid  }
0x8b: {  	s0 =	sand.u32 $0x1, s1  }
0x8c: {  	s17 =	sshll.u32 s0, $0xA;
	s2 =	sadd.s32 s3, s2  }
0x8d: {  	s2 =	sadd.s32 s2, s17  }
0x8e: {  	[smem:$0x3FC0] =	sst s2  }
0x8f: {  	_ = 	snop  }
0x90: {  	s2 =	sld [smem:$0x3FD0];
	(tm) =	ssettm $0x1  }
0x91: {  	s18 =	sld [smem:$0x3FFB];
	_ =	sdelay $0x3  }
0x92: {  	_ =	strace s18  }
0x93: {  	s3 =	sld [smem:$0x3FFC];
	_ =	sdelay $0x3  }
0x94: {  	_ =	strace s3  }
0x95: {  	s3 =	sld [smem:$0x3FFD];
	_ =	sdelay $0x3  }
0x96: {  	_ =	strace s3  }
0x97: {  	_ =	strace $0x8FFFFFFF  }
0x98: {  	s19 =	sld [smem:$0x3FDB];
	_ =	sdelay $0x1  }
0x99: {  	s4 =	simm.s32 $_scs_section_size  }
0x9a: {  	s5 =	simm.s32 $_size__tile_overlayer_lowered;
	s6 =	simm.s32 $_tile_overlayer_lowered  }
0x9b: {  	s22 =	simm.s32 $0x1BFF;
	s21 =	sshll.u32 s6, $0x1;
	s3 =	sadd.s32 s4, s19  }
0x9c: {  	s7 =	simm.s32 $0x0;
	s20 =	sshll.u32 s5, $0x1;
	s5 =	sadd.s32 s21, s3  }
0x9d: {  	[timem:s7], [sflag:s22] =	dma.local [hbm:s5], s20  }
0x9e: {  	_ =	swait.ge [sflag:s22], s20  }
0x9f: {  	s4 =	ssub.s32 $0x0, s20;
	[sflag:s22] =	ssyncset.done $0x0  }
0xa0: {  	[sflag:s22] =	ssyncadd.s32 s4;
	_ =	sdelay $0x1  }
0xa1: {  	s23 =	simm.s32 $0x1B8B  }
0xa2: {  	_ =	swait.ge [sflag:s23], $0x1  }
0xa3: {  	[sflag:s23] =	ssyncset.done $0x0  }
0xa4: {  	s25 =	simm.s32 $0x1B8E;
	s24 =	sld [smem:$0x3FFE];
	[sflag:s23] =	ssyncadd.s32 $0xFFFFFFFF  }
0xa5: {  	s26 =	simm.s32 $execute0_lowered;
	[smem:$0x3FD2] =	sst s25  }
0xa6: {  	s5 =	sshll.u32 s26, $0x1;
	_ =	strace $0x80000049;
	[dreg:$0x1] =	wrdreg $0xFFFFFFFF  }
0xa7: {  	s28 =	simm.s32 $_size_execute0_lowered;
	s3 =	sadd.s32 s3, s5;
	[dreg:$0x0] =	wrdreg $0x0  }
0xa8: {  	s5 =	sshll.u32 s28, $0x1;
	[dreg:$0x2] =	wrdreg s3  }
0xa9: {  	[dreg:$0x3] =	wrdreg s5  }
0xaa: {  	[dreg:$0x4] =	wrdreg $0xC0  }
0xab: {  	_ =	task [dreg:s7], $0x5FFFF  }
0xac: {  	[dreg:$0x1] =	wrdreg $0xFFFFFFFF  }
0xad: {  	[dreg:$0x0] =	wrdreg $0x60  }
0xae: {  	[dreg:$0x2] =	wrdreg s2  }
0xaf: {  	[dreg:$0x3] =	wrdreg s24  }
0xb0: {  	[dreg:$0x4] =	wrdreg $0x120000  }
0xb1: {  	[dreg:$0x5] =	wrdreg $0x9  }
0xb2: {  	_ =	task.clear_ibuf [dreg:s7], $0x6FFFF;
	_ =	strace $0x90000049  }
0xb3: {  	s29 =	simm.s32 $0x9;
	_ =	strace $0x8000004B  }
0xb4: {  	_ =	swait.ge [sflag:s29], $0x1  }
0xb5: {  	[sflag:s29] =	ssyncadd.s32 $0xFFFFFFFF  }
0xb6: {  	_ =	strace $0x9000004B  }
0xb7: {  	_ =	sfence  }
0xb8: {  	s30 =	sld [smem:$0x0];
	_ =	sdelay $0x2  }
0xb9: {  	s31 =	sshll.u32 s1, $0xD;
	s1 =	sshrl.u32 s1, $0x2  }
0xba: {  	s3 =	sand.u32 $0x4000, s31;
	s1 =	sadd.s32 s1, s30  }
0xbb: {  	s0 =	sor.u32 s3, s0;
	s1 =	sshll.u32 s1, $0x11  }
0xbc: {  	s0 =	sor.u32 s1, s0  }
0xbd: {  	s0 =	sadd.s32 $0x8F2B, s0  }
0xbe: {  	[sflag:s0] =	ssyncadd.remote.s32 $0x1  }
0xbf: {  	_ =	sfence.sel $0xFFFF  }
0xc0: {  	[dreg:$0x0] =	wrdreg $0xFFFFFFFF;
	(pc) =	sbr.abs _section_cstart, $3  }
0xc1: {  	[dreg:$0x1] =	wrdreg $0xFFFFFFFF  }
0xc2: {  	_ =	task.clear_ibuf [dreg:s7], $0x2FFFF;
	_ =	strace $0x9FFFFFFF  }
0xc3: {  	(tm) =	ssettm $0x7FFFFFFF  }
tec
execute0_lowered:
.L_overlay_start_1:
0x0: {  	(tag) =	ssettag $0x1  }
0x1: {  	s1 =	rddreg [dreg:$0x0]  }
0x2: {  	s2 =	srdreg.scid;
	s6 =	rddreg [dreg:$0x1]  }
0x3: {  	s0 =	stileid.u32;
	s3 =	rddreg [dreg:$0x2];
	s4 =	simm.s32 $0x0  }
0x4: {  	s11 =	simm.s32 $0x5000;
	s14 =	simm.s32 $0x80;
	s15 =	simm.s32 $0xA000  }
0x5: {  	s16 =	simm.s32 $0xC000;
	s17 =	simm.s32 $0x100;
	s18 =	simm.s32 $0xE000  }
0x6: {  	s19 =	simm.s32 $0x180;
	s20 =	simm.s32 $0x10000;
	s21 =	simm.s32 $0x1  }
0x7: {  	s22 =	simm.s32 $0x2;
	s23 =	simm.s32 $0x3;
	s24 =	simm.s32 $0x4  }
0x8: {  	s25 =	simm.s32 $0x9E00;
	s28 =	simm.s32 $0x9F00;
	s5 =	smul.u32 $0x5000, s0  }
0x9: {  	s29 =	simm.s32 $0x9F80;
	s2 =	sand.u32 $0x1, s2;
	s8 =	smul.u32 $0x9E00, s0  }
0xa: {  	s30 =	simm.s32 $0x0;
	[smem:$0x7FF] =	sst s4;
	s7 =	smul.u32 $0x50000, s2  }
0xb: {  	s31 =	sshll.u32 s0, $0x6;
	s9 =	smul.u32 $0x9E000, s2;
	s2 =	ssub.s32 $0x2, s2  }
0xc: {  	_ =	strace $0x8000004A;
	s12 =	sor.u32 $0x1C05, s31;
	s26 =	sshrl.u32 s2, $0x1  }
0xd: {  	s13 =	sadd.s32 s8, s3;
	s7 =	sadd.s32 s5, s7;
	s5 =	sshrl.u32 s5, $0x3  }
0xe: {  	s9 =	sadd.s32 s8, s9;
	s2 =	ssub.s32 s2, s26;
	s13 =	sshrl.u32 s13, $0x3  }
0xf: {  	s26 =	simm.s32 $0x9E80;
	s7 =	sshrl.u32 s7, $0x3;
	s10 =	sadd.s32 s5, s6  }
0x10: {  	s9 =	sshrl.u32 s9, $0x3;
	s5 =	sadd.s32 $0x49600, s6;
	s7 =	sadd.s32 s7, s6  }
0x11: {  	s9 =	sadd.s32 s9, s6;
	s6 =	sadd.s32 $0xE400, s7;
	s7 =	sadd.s32 $0x3C00, s10  }
0x12: {  	s8 =	sadd.s32 $0x4AA00, s9;
	s9 =	smax.u32 s2, $0x1;
	s10 =	simm.s32 $0x5  }
.LBB2_1:
0x13: {  	[tilespmem:s4], [sflag:$0x5] =	stream.linear.gather [hbm4b:s6+s4], $0x5000, $0x38;
	[tilespmem:$0x1BE00] =	vst v63  }
0x14: {  	_ =	swait.ge [sflag:s10], $0x5000  }
0x15: {  	[sflag:s10] =	ssyncset.done $0x0  }
0x16: {  	[sflag:s10] =	ssyncadd.s32 $0xFFFFB000  }
0x17: {  	[tilespmem:s11], [sflag:$0x5] =	stream.linear.gather [hbm4b:s7+s4], $0x5000, $0x38;
	[tilespmem:$0x1BE00] =	vst v63  }
0x18: {  	_ =	swait.ge [sflag:s10], $0x5000  }
0x19: {  	[sflag:s10] =	ssyncset.done $0x0  }
0x1a: {  	[sflag:s10] =	ssyncadd.s32 $0xFFFFB000  }
0x1b: {  	[spmem:s13], [sflag:s12] =	dma.local [hbm:s5], $0x13C0  }
0x1c: {  	_ =	swait.ge [sflag:s10], $0x13C0  }
0x1d: {  	[sflag:s10] =	ssyncset.done $0x0  }
0x1e: {  	[sflag:s10] =	ssyncadd.s32 $0xFFFFEC40  }
0x1f: {  	[bflag:$0x0] =	sbarrier.arrive $0xFFFF  }
0x20: {  	[tilespmem:s15], [sflag:$0x1] =	stream.indirect.gather [hbm4b:s1+s14], $0x40, s4, s14, $0xb8;
	[tilespmem:$0x1BE00] =	vst v63  }
0x21: {  	_ = 	snop  }
0x22: {  	[tilespmem:s16], [sflag:$0x2] =	stream.indirect.gather [hbm4b:s1+s14], $0x40, s14, s14, $0xb8;
	[tilespmem:$0x1BE00] =	vst v63  }
0x23: {  	_ = 	snop  }
0x24: {  	[tilespmem:s18], [sflag:$0x3] =	stream.indirect.gather [hbm4b:s1+s14], $0x40, s17, s14, $0xb8;
	[tilespmem:$0x1BE00] =	vst v63  }
0x25: {  	_ = 	snop  }
0x26: {  	[tilespmem:s20], [sflag:$0x4] =	stream.indirect.gather [hbm4b:s1+s14], $0x40, s19, s14, $0xb8;
	[tilespmem:$0x1BE00] =	vst v63  }
0x27: {  	_ =	swait.ge [sflag:s21], $0x2000  }
0x28: {  	[sflag:s21] =	ssyncset.done $0x0  }
0x29: {  	s2 =	simm.s32 $0x5000;
	[sflag:s21] =	ssyncadd.s32 $0xFFFFE000  }
0x2a: {  	[spmem:s3] =	stream.indirect.scatter.add.f32 [tilespmem:s15], [sflag:$0x5], $0x40, s2, s14, $0xb8;
	[tilespmem:$0x1BE00] =	vst v63  }
0x2b: {  	_ =	swait.ge [sflag:s10], $0x2000  }
0x2c: {  	[sflag:s10] =	ssyncset.done $0x0  }
0x2d: {  	s0 =	simm.s32 $0x200;
	[sflag:s10] =	ssyncadd.s32 $0xFFFFE000  }
0x2e: {  	[tilespmem:s15], [sflag:$0x1] =	stream.indirect.gather [hbm4b:s1+s14], $0x40, s0, s14, $0xb8;
	[tilespmem:$0x1BE00] =	vst v63  }
0x2f: {  	_ =	swait.ge [sflag:s22], $0x2000  }
0x30: {  	[sflag:s22] =	ssyncset.done $0x0  }
0x31: {  	s0 =	simm.s32 $0x5080;
	[sflag:s22] =	ssyncadd.s32 $0xFFFFE000  }
0x32: {  	[spmem:s3] =	stream.indirect.scatter.add.f32 [tilespmem:s16], [sflag:$0x5], $0x40, s0, s14, $0xb8;
	[tilespmem:$0x1BE00] =	vst v63  }
0x33: {  	_ =	swait.ge [sflag:s10], $0x2000  }
0x34: {  	[sflag:s10] =	ssyncset.done $0x0  }
0x35: {  	s0 =	simm.s32 $0x280;
	[sflag:s10] =	ssyncadd.s32 $0xFFFFE000  }
0x36: {  	[tilespmem:s16], [sflag:$0x2] =	stream.indirect.gather [hbm4b:s1+s14], $0x40, s0, s14, $0xb8;
	[tilespmem:$0x1BE00] =	vst v63  }
0x37: {  	_ =	swait.ge [sflag:s23], $0x2000  }
0x38: {  	[sflag:s23] =	ssyncset.done $0x0  }
0x39: {  	s0 =	simm.s32 $0x5100;
	[sflag:s23] =	ssyncadd.s32 $0xFFFFE000  }
0x3a: {  	[spmem:s3] =	stream.indirect.scatter.add.f32 [tilespmem:s18], [sflag:$0x5], $0x40, s0, s14, $0xb8;
	[tilespmem:$0x1BE00] =	vst v63  }
0x3b: {  	_ =	swait.ge [sflag:s10], $0x2000  }
0x3c: {  	[sflag:s10] =	ssyncset.done $0x0  }
0x3d: {  	s0 =	simm.s32 $0x300;
	[sflag:s10] =	ssyncadd.s32 $0xFFFFE000  }
0x3e: {  	[tilespmem:s18], [sflag:$0x3] =	stream.indirect.gather [hbm4b:s1+s14], $0x40, s0, s14, $0xb8;
	[tilespmem:$0x1BE00] =	vst v63  }
0x3f: {  	_ =	swait.ge [sflag:s24], $0x2000  }
0x40: {  	[sflag:s24] =	ssyncset.done $0x0  }
0x41: {  	s0 =	simm.s32 $0x5180;
	[sflag:s24] =	ssyncadd.s32 $0xFFFFE000  }
0x42: {  	[spmem:s3] =	stream.indirect.scatter.add.f32 [tilespmem:s20], [sflag:$0x5], $0x40, s0, s14, $0xb8;
	[tilespmem:$0x1BE00] =	vst v63  }
0x43: {  	_ =	swait.ge [sflag:s10], $0x2000  }
0x44: {  	[sflag:s10] =	ssyncset.done $0x0  }
0x45: {  	s31 =	simm.s32 $0x800;
	s2 =	simm.s32 $0x380;
	[sflag:s10] =	ssyncadd.s32 $0xFFFFE000  }
.LBB2_2:
0x46: {  	[tilespmem:s20], [sflag:$0x4] =	stream.indirect.gather [hbm4b:s1+s14], $0x40, s2, s14, $0xb8;
	[tilespmem:$0x1BE00] =	vst v63  }
0x47: {  	s2 =	smov.u32 s31  }
0x48: {  	p0 =	sne.s32 s31, $0x13000;
	s31 =	sadd.s32 $0x800, s31;
	_ =	swait.ge [sflag:s21], $0x2000  }
0x49: {  	s2 =	sshra.s32 s2, $0x2;
	[sflag:s21] =	ssyncset.done $0x0  }
0x4a: {  	s0 =	sadd.s32 $0x5000, s2;
	[sflag:s21] =	ssyncadd.s32 $0xFFFFE000  }
0x4b: {  	[spmem:s3] =	stream.indirect.scatter.add.f32 [tilespmem:s15], [sflag:$0x5], $0x40, s0, s14, $0xb8;
	[tilespmem:$0x1BE00] =	vst v63  }
0x4c: {  	_ =	swait.ge [sflag:s10], $0x2000  }
0x4d: {  	[sflag:s10] =	ssyncset.done $0x0  }
0x4e: {  	s0 =	sadd.s32 $0x200, s2;
	[sflag:s10] =	ssyncadd.s32 $0xFFFFE000  }
0x4f: {  	[tilespmem:s15], [sflag:$0x1] =	stream.indirect.gather [hbm4b:s1+s14], $0x40, s0, s14, $0xb8;
	[tilespmem:$0x1BE00] =	vst v63  }
0x50: {  	_ =	swait.ge [sflag:s22], $0x2000  }
0x51: {  	[sflag:s22] =	ssyncset.done $0x0  }
0x52: {  	s0 =	sadd.s32 $0x5080, s2;
	[sflag:s22] =	ssyncadd.s32 $0xFFFFE000  }
0x53: {  	[spmem:s3] =	stream.indirect.scatter.add.f32 [tilespmem:s16], [sflag:$0x5], $0x40, s0, s14, $0xb8;
	[tilespmem:$0x1BE00] =	vst v63  }
0x54: {  	_ =	swait.ge [sflag:s10], $0x2000  }
0x55: {  	[sflag:s10] =	ssyncset.done $0x0  }
0x56: {  	s0 =	sadd.s32 $0x280, s2;
	[sflag:s10] =	ssyncadd.s32 $0xFFFFE000  }
0x57: {  	[tilespmem:s16], [sflag:$0x2] =	stream.indirect.gather [hbm4b:s1+s14], $0x40, s0, s14, $0xb8;
	[tilespmem:$0x1BE00] =	vst v63  }
0x58: {  	_ =	swait.ge [sflag:s23], $0x2000  }
0x59: {  	[sflag:s23] =	ssyncset.done $0x0  }
0x5a: {  	s0 =	sadd.s32 $0x5100, s2;
	[sflag:s23] =	ssyncadd.s32 $0xFFFFE000  }
0x5b: {  	[spmem:s3] =	stream.indirect.scatter.add.f32 [tilespmem:s18], [sflag:$0x5], $0x40, s0, s14, $0xb8;
	[tilespmem:$0x1BE00] =	vst v63  }
0x5c: {  	_ =	swait.ge [sflag:s10], $0x2000  }
0x5d: {  	[sflag:s10] =	ssyncset.done $0x0  }
0x5e: {  	s0 =	sadd.s32 $0x300, s2;
	[sflag:s10] =	ssyncadd.s32 $0xFFFFE000  }
0x5f: {  	[tilespmem:s18], [sflag:$0x3] =	stream.indirect.gather [hbm4b:s1+s14], $0x40, s0, s14, $0xb8;
	[tilespmem:$0x1BE00] =	vst v63  }
0x60: {  	_ =	swait.ge [sflag:s24], $0x2000  }
0x61: {  	[sflag:s24] =	ssyncset.done $0x0  }
.Ltmp0:
0x62: {  	s0 =	sadd.s32 $0x5180, s2;
	[sflag:s24] =	ssyncadd.s32 $0xFFFFE000;
	(pc) =	sbr.rel @p0 .LBB2_2-.Ltmp0, $4  }
0x63: {  	[spmem:s3] =	stream.indirect.scatter.add.f32 [tilespmem:s20], [sflag:$0x5], $0x40, s0, s14, $0xb8;
	[tilespmem:$0x1BE00] =	vst v63  }
0x64: {  	_ =	swait.ge [sflag:s10], $0x2000  }
0x65: {  	[sflag:s10] =	ssyncset.done $0x0  }
0x66: {  	s2 =	sadd.s32 $0x380, s2;
	[sflag:s10] =	ssyncadd.s32 $0xFFFFE000  }
0x67: {  	[tilespmem:s20], [sflag:$0x4] =	stream.indirect.gather [hbm4b:s1+s14], $0x40, s2, s14, $0xb8;
	[tilespmem:$0x1BE00] =	vst v63  }
0x68: {  	_ =	swait.ge [sflag:s21], $0x2000  }
0x69: {  	[sflag:s21] =	ssyncset.done $0x0  }
0x6a: {  	[sflag:s21] =	ssyncadd.s32 $0xFFFFE000  }
0x6b: {  	[spmem:s3] =	stream.indirect.scatter.add.f32 [tilespmem:s15], [sflag:$0x5], $0x40, s25, s14, $0xb8;
	[tilespmem:$0x1BE00] =	vst v63  }
0x6c: {  	_ =	swait.ge [sflag:s10], $0x2000  }
0x6d: {  	[sflag:s10] =	ssyncset.done $0x0  }
0x6e: {  	[sflag:s10] =	ssyncadd.s32 $0xFFFFE000  }
0x6f: {  	_ =	swait.ge [sflag:s22], $0x2000  }
0x70: {  	[sflag:s22] =	ssyncset.done $0x0  }
0x71: {  	[sflag:s22] =	ssyncadd.s32 $0xFFFFE000  }
0x72: {  	[spmem:s3] =	stream.indirect.scatter.add.f32 [tilespmem:s16], [sflag:$0x5], $0x40, s26, s14, $0xb8;
	[tilespmem:$0x1BE00] =	vst v63  }
0x73: {  	_ =	swait.ge [sflag:s10], $0x2000  }
0x74: {  	[sflag:s10] =	ssyncset.done $0x0  }
0x75: {  	[sflag:s10] =	ssyncadd.s32 $0xFFFFE000  }
0x76: {  	_ =	swait.ge [sflag:s23], $0x2000  }
0x77: {  	[sflag:s23] =	ssyncset.done $0x0  }
0x78: {  	[sflag:s23] =	ssyncadd.s32 $0xFFFFE000  }
0x79: {  	[spmem:s3] =	stream.indirect.scatter.add.f32 [tilespmem:s18], [sflag:$0x5], $0x40, s28, s14, $0xb8;
	[tilespmem:$0x1BE00] =	vst v63  }
0x7a: {  	_ =	swait.ge [sflag:s10], $0x2000  }
0x7b: {  	[sflag:s10] =	ssyncset.done $0x0  }
0x7c: {  	[sflag:s10] =	ssyncadd.s32 $0xFFFFE000  }
0x7d: {  	_ =	swait.ge [sflag:s24], $0x2000  }
0x7e: {  	[sflag:s24] =	ssyncset.done $0x0  }
0x7f: {  	[sflag:s24] =	ssyncadd.s32 $0xFFFFE000  }
0x80: {  	[spmem:s3] =	stream.indirect.scatter.add.f32 [tilespmem:s20], [sflag:$0x5], $0x40, s29, s14, $0xb8;
	[tilespmem:$0x1BE00] =	vst v63  }
0x81: {  	_ =	swait.ge [sflag:s10], $0x2000  }
0x82: {  	s30 =	sadd.s32 $0x1, s30;
	[sflag:s10] =	ssyncset.done $0x0  }
0x83: {  	p0 =	sne.s32 s30, s9;
	[sflag:s10] =	ssyncadd.s32 $0xFFFFE000  }
.Ltmp1:
0x84: {  	[bflag:$0x0] =	sbarrier.arrive $0xFFFF;
	(pc) =	sbr.rel @p0 .LBB2_1-.Ltmp1, $4  }
0x85: {  	[hbm:s8], [sflag:s12] =	dma.local [spmem:s13], $0x13C0  }
0x86: {  	_ =	swait.ge [sflag:s10], $0x13C0  }
0x87: {  	[sflag:s10] =	ssyncset.done $0x0  }
0x88: {  	[sflag:s10] =	ssyncadd.s32 $0xFFFFEC40  }
0x89: {  	_ =	sfence.sel $0x180000  }
0x8a: {  	[bflag:$0x0] =	sbarrier.arrive $0xFFFF  }
0x8b: {  	_ =	strace $0x9000004A  }
0x8c: {  	s0 =	stileid.u32;
	[bflag:$0x2] =	sbarrier.arrive $0xFFFF  }
0x8d: {  	p0 =	sne.s32 s0, $0x0;
	s0 =	rddreg [dreg:$0x3]  }
0x8e: {  	s0 =	sadd.s32 @!p0 $0x100000, s0  }
0x8f: {  	[sflag:s0] =	ssyncadd.tile.s32 @!p0 $0x1;
	_ =	shalt  }
.Lfunc_end2:
_tile_overlayer_lowered:
.L_overlay_start_2:
0x90: {  	(tag) =	ssettag $0x2  }
0x91: {  	s0 =	rddreg [dreg:$0x0];
	s2 =	stileid.u32  }
0x92: {  	s1 =	rddreg [dreg:$0x1];
	p0 =	sne.s32 s2, $0x0  }
0x93: {  	s3 =	rddreg [dreg:$0x2];
	[bflag:$0x3] =	sbarrier.arrive $0xFFFF;
	s2 =	simm.s32 @!p0 $0x1C05  }
0x94: {  	[timem:s3], [sflag:s2] =	dma.local @!p0 [hbm:s0], s1  }
0x95: {  	s0 =	simm.s32 @!p0 $0x5  }
0x96: {  	_ =	swait.ge @!p0 [sflag:s0], s1  }
0x97: {  	s1 =	ssub.s32 @!p0 $0x0, s1;
	[sflag:s0] =	ssyncset.done @!p0 $0x0  }
0x98: {  	[sflag:s0] =	ssyncadd.s32 @!p0 s1  }
0x99: {  	[bflag:$0x3] =	sbarrier.arrive $0xFFFF  }
0x9a: {  	_ =	shalt  }

// kernel: kernel.14.cloned.1.call-start
scs
__scs_entry_jumppad:
0x0: {  	(pc) =	sbr.rel $0x88, $3  }
0x1: {  	(tag) =	ssettag $0x0;
	lr =	simm.s32 $0x1  }
0x2: {  	[smem:$0x3F99] =	sst lr;
	_ =	strace $0xD0000000  }
0x3: {  	_ = 	snop  }
0x4: {  	_ = 	snop  }
0x5: {  	_ = 	snop  }
0x6: {  	_ = 	snop  }
0x7: {  	_ = 	snop  }
__scs_overlays_trampoline_lowered:
0x8: {  	[smem:$0x3FA8] =	sst s0  }
0x9: {  	[smem:$0x3FA9] =	sst s1  }
0xa: {  	[smem:$0x3FAA] =	sst s2  }
0xb: {  	[smem:$0x3FAB] =	sst s3  }
0xc: {  	[smem:$0x3FAC] =	sst s4  }
0xd: {  	[smem:$0x3FAD] =	sst s5  }
0xe: {  	[smem:$0x3FAE] =	sst s6  }
0xf: {  	[smem:$0x3FAF] =	sst s7  }
0x10: {  	[smem:$0x3FB0] =	sst s8  }
0x11: {  	[smem:$0x3FB1] =	sst s9;
	s0 =	simm.s32 @!p0 $0x0  }
0x12: {  	s1 =	sld [smem:$0x3F97];
	s0 =	simm.s32 @p0 $0x1  }
0x13: {  	[smem:$0x3FB2] =	sst s0;
	s0 =	simm.s32 @!p1 $0x0  }
0x14: {  	s2 =	sld [smem:$0x3F96];
	s0 =	simm.s32 @p1 $0x1  }
0x15: {  	[smem:$0x3FB3] =	sst s0;
	s0 =	simm.s32 @!p2 $0x0  }
0x16: {  	s3 =	sld [smem:$0x3FDB];
	s0 =	simm.s32 @p2 $0x1  }
0x17: {  	s4 =	simm.s32 $0x1BF5;
	[smem:$0x3FB5] =	sst s0  }
0x18: {  	s0 =	sld [smem:$0x3F98];
	_ =	swait.ge [sflag:s4], $0x0  }
0x19: {  	s7 =	sld [smem:$0x3F99]  }
0x1a: {  	s8 =	sadd.s32 $0xFFFFE003, lr  }
0x1b: {  	s9 =	sadd.s32 $0xFFFFFEF7, lr;
	s5 =	simm.s32 $0xFFFFFFFF;
	p2 =	slt.u32 s8, $0xFFFFF086  }
0x1c: {  	p1 =	slt.u32 s9, $0xF7A;
	s5 =	simm.s32 @!p2 $0x0  }
0x1d: {  	s5 =	simm.s32 @p1 $0x1;
	p0 =	seq.s32 s7, s2  }
0x1e: {  	s7 =	smul.u32 @!p0 $0xF7A, s2;
	p2 =	seq.s32 @!p0 s5, $0x0  }
0x1f: {  	s9 =	smul.u32 $0xF7A, s1;
	s8 =	simm.s32 @!p0 $0x1BF5;
	p2 =	por !p2, p0  }
0x20: {  	[sflag:s8] =	ssyncset.s32 @!p0 $0xFFFFF086;
	s6 =	sadd.s32 @!p0 s3, s7;
	s7 =	simm.s32 @!p0 $0x108  }
0x21: {  	s3 =	sadd.s32 s3, s9;
	s6 =	sadd.s32 @!p0 $0x88, s6;
	s7 =	simm.s32 @p2 $0x1082  }
0x22: {  	[simem:s7], [sflag:s8] =	dma.local @!p0 [hbm:s6], $0xF7A  }
0x23: {  	s9 =	sor.u32 $0xD0000000, s2;
	s6 =	simm.s32 $0x108;
	_ =	swait.ge @!p0 [sflag:s8], $0x0  }
0x24: {  	s3 =	sadd.s32 $0x88, s3;
	s6 =	simm.s32 @!p1 $0x1082;
	[sflag:s4] =	ssyncset.s32 $0xFFFFF086  }
0x25: {  	[simem:s6], [sflag:s4] =	dma.local [hbm:s3], $0xF7A  }
0x26: {  	[smem:$0x3F99] =	sst s1;
	(tag) =	ssettag s2;
	_ =	strace s9  }
0x27: {  	s1 =	sld [smem:$0x3FA9]  }
0x28: {  	s2 =	sld [smem:$0x3FAA]  }
0x29: {  	s4 =	sld [smem:$0x3FAC]  }
0x2a: {  	p0 =	seq.s32 s5, $0x0;
	s5 =	sld [smem:$0x3FAD]  }
0x2b: {  	s6 =	sld [smem:$0x3FAE]  }
0x2c: {  	s7 =	sld [smem:$0x3FAF]  }
0x2d: {  	s3 =	simm.s32 $0x108;
	s8 =	sld [smem:$0x3FB0]  }
0x2e: {  	s3 =	simm.s32 @!p0 $0x1082;
	s9 =	sld [smem:$0x3FB1]  }
0x2f: {  	lr =	sadd.s32 s0, s3;
	s0 =	sld [smem:$0x3FA8]  }
0x30: {  	s3 =	sld [smem:$0x3FAB]  }
0x31: {  	[smem:$0x3FB4] =	sst s10  }
0x32: {  	s10 =	sld [smem:$0x3FB2];
	_ =	sdelay $0x3  }
0x33: {  	p0 =	seq.s32 s10, $0x1;
	s10 =	sld [smem:$0x3FB4];
	_ =	sdelay $0x3  }
0x34: {  	[smem:$0x3FB4] =	sst s10  }
0x35: {  	s10 =	sld [smem:$0x3FB3];
	_ =	sdelay $0x3  }
0x36: {  	p1 =	seq.s32 s10, $0x1;
	s10 =	sld [smem:$0x3FB4];
	_ =	sdelay $0x3  }
0x37: {  	[smem:$0x3FB4] =	sst s10  }
0x38: {  	s10 =	sld [smem:$0x3FB5]  }
0x39: {  	_ = 	snop;
	(pc) =	sbr.ind lr, $3  }
0x3a: {  	_ = 	snop  }
0x3b: {  	_ = 	snop  }
0x3c: {  	p2 =	seq.s32 s10, $0x1;
	s10 =	sld [smem:$0x3FB4]  }
0x3d: {  	_ =	shalt  }
0x3e: {  	_ =	shalt  }
0x3f: {  	_ =	shalt  }
0x40: {  	_ =	shalt  }
0x41: {  	_ =	shalt  }
0x42: {  	_ =	shalt  }
0x43: {  	_ =	shalt  }
0x44: {  	_ =	shalt  }
0x45: {  	_ =	shalt  }
0x46: {  	_ =	shalt  }
0x47: {  	_ =	shalt  }
0x48: {  	_ =	shalt  }
0x49: {  	_ =	shalt  }
0x4a: {  	_ =	shalt  }
0x4b: {  	_ =	shalt  }
0x4c: {  	_ =	shalt  }
0x4d: {  	_ =	shalt  }
0x4e: {  	_ =	shalt  }
0x4f: {  	_ =	shalt  }
0x50: {  	_ =	shalt  }
0x51: {  	_ =	shalt  }
0x52: {  	_ =	shalt  }
0x53: {  	_ =	shalt  }
0x54: {  	_ =	shalt  }
0x55: {  	_ =	shalt  }
0x56: {  	_ =	shalt  }
0x57: {  	_ =	shalt  }
0x58: {  	_ =	shalt  }
0x59: {  	_ =	shalt  }
0x5a: {  	_ =	shalt  }
0x5b: {  	_ =	shalt  }
0x5c: {  	_ =	shalt  }
0x5d: {  	_ =	shalt  }
0x5e: {  	_ =	shalt  }
0x5f: {  	_ =	shalt  }
0x60: {  	_ =	shalt  }
0x61: {  	_ =	shalt  }
0x62: {  	_ =	shalt  }
0x63: {  	_ =	shalt  }
0x64: {  	_ =	shalt  }
0x65: {  	_ =	shalt  }
0x66: {  	_ =	shalt  }
0x67: {  	_ =	shalt  }
0x68: {  	_ =	shalt  }
0x69: {  	_ =	shalt  }
0x6a: {  	_ =	shalt  }
0x6b: {  	_ =	shalt  }
0x6c: {  	_ =	shalt  }
0x6d: {  	_ =	shalt  }
0x6e: {  	_ =	shalt  }
0x6f: {  	_ =	shalt  }
0x70: {  	_ =	shalt  }
0x71: {  	_ =	shalt  }
0x72: {  	_ =	shalt  }
0x73: {  	_ =	shalt  }
0x74: {  	_ =	shalt  }
0x75: {  	_ =	shalt  }
0x76: {  	_ =	shalt  }
0x77: {  	_ =	shalt  }
0x78: {  	_ =	shalt  }
0x79: {  	_ =	shalt  }
0x7a: {  	_ =	shalt  }
0x7b: {  	_ =	shalt  }
0x7c: {  	_ =	shalt  }
0x7d: {  	_ =	shalt  }
0x7e: {  	_ =	shalt  }
0x7f: {  	_ =	shalt  }
0x80: {  	_ =	shalt  }
0x81: {  	_ =	shalt  }
0x82: {  	_ =	shalt  }
0x83: {  	_ =	shalt  }
0x84: {  	_ =	shalt  }
0x85: {  	_ =	shalt  }
0x86: {  	_ =	shalt  }
0x87: {  	_ =	shalt  }
.Lfunc_end0:
.L_simem_size_0:
called_computation.2_lowered:
.L_overlay_start_0:
0x88: {  	s2 =	sld [smem:$0x3FD9]  }
0x89: {  	s3 =	sld [smem:$0x3FFE];
	_ =	sdelay $0x1  }
0x8a: {  	s1 =	srdreg.scid  }
0x8b: {  	s0 =	sand.u32 $0x1, s1  }
0x8c: {  	s17 =	sshll.u32 s0, $0xA;
	s2 =	sadd.s32 s3, s2  }
0x8d: {  	s2 =	sadd.s32 s2, s17  }
0x8e: {  	[smem:$0x3FC0] =	sst s2  }
0x8f: {  	_ = 	snop  }
0x90: {  	s2 =	sld [smem:$0x3FD0];
	(tm) =	ssettm $0x1  }
0x91: {  	s18 =	sld [smem:$0x3FFB];
	_ =	sdelay $0x3  }
0x92: {  	_ =	strace s18  }
0x93: {  	s3 =	sld [smem:$0x3FFC];
	_ =	sdelay $0x3  }
0x94: {  	_ =	strace s3  }
0x95: {  	s3 =	sld [smem:$0x3FFD];
	_ =	sdelay $0x3  }
0x96: {  	_ =	strace s3  }
0x97: {  	_ =	strace $0x8FFFFFFF  }
0x98: {  	s19 =	sld [smem:$0x3FDB];
	_ =	sdelay $0x1  }
0x99: {  	s4 =	simm.s32 $_scs_section_size  }
0x9a: {  	s5 =	simm.s32 $_size__tile_overlayer_lowered;
	s6 =	simm.s32 $_tile_overlayer_lowered  }
0x9b: {  	s22 =	simm.s32 $0x1BFF;
	s21 =	sshll.u32 s6, $0x1;
	s3 =	sadd.s32 s4, s19  }
0x9c: {  	s7 =	simm.s32 $0x0;
	s20 =	sshll.u32 s5, $0x1;
	s5 =	sadd.s32 s21, s3  }
0x9d: {  	[timem:s7], [sflag:s22] =	dma.local [hbm:s5], s20  }
0x9e: {  	_ =	swait.ge [sflag:s22], s20  }
0x9f: {  	s4 =	ssub.s32 $0x0, s20;
	[sflag:s22] =	ssyncset.done $0x0  }
0xa0: {  	[sflag:s22] =	ssyncadd.s32 s4;
	_ =	sdelay $0x1  }
0xa1: {  	s23 =	simm.s32 $0x1B8B  }
0xa2: {  	_ =	swait.ge [sflag:s23], $0x1  }
0xa3: {  	[sflag:s23] =	ssyncset.done $0x0  }
0xa4: {  	s25 =	simm.s32 $0x1B8E;
	s24 =	sld [smem:$0x3FFE];
	[sflag:s23] =	ssyncadd.s32 $0xFFFFFFFF  }
0xa5: {  	s26 =	simm.s32 $execute0_lowered;
	[smem:$0x3FD2] =	sst s25  }
0xa6: {  	s5 =	sshll.u32 s26, $0x1;
	_ =	strace $0x8000004C;
	[dreg:$0x1] =	wrdreg $0xFFFFFFFF  }
0xa7: {  	s28 =	simm.s32 $_size_execute0_lowered;
	s3 =	sadd.s32 s3, s5;
	[dreg:$0x0] =	wrdreg $0x0  }
0xa8: {  	s5 =	sshll.u32 s28, $0x1;
	[dreg:$0x2] =	wrdreg s3  }
0xa9: {  	[dreg:$0x3] =	wrdreg s5  }
0xaa: {  	[dreg:$0x4] =	wrdreg $0xC0  }
0xab: {  	_ =	task [dreg:s7], $0x5FFFF  }
0xac: {  	[dreg:$0x1] =	wrdreg $0xFFFFFFFF  }
0xad: {  	[dreg:$0x0] =	wrdreg $0x60  }
0xae: {  	[dreg:$0x2] =	wrdreg s2  }
0xaf: {  	[dreg:$0x3] =	wrdreg s24  }
0xb0: {  	[dreg:$0x4] =	wrdreg $0x120000  }
0xb1: {  	[dreg:$0x5] =	wrdreg $0x9  }
0xb2: {  	_ =	task.clear_ibuf [dreg:s7], $0x6FFFF;
	_ =	strace $0x9000004C  }
0xb3: {  	s29 =	simm.s32 $0x9;
	_ =	strace $0x8000004E  }
0xb4: {  	_ =	swait.ge [sflag:s29], $0x1  }
0xb5: {  	[sflag:s29] =	ssyncadd.s32 $0xFFFFFFFF  }
0xb6: {  	_ =	strace $0x9000004E  }
0xb7: {  	_ =	sfence  }
0xb8: {  	s30 =	sld [smem:$0x0];
	_ =	sdelay $0x2  }
0xb9: {  	s31 =	sshll.u32 s1, $0xD;
	s1 =	sshrl.u32 s1, $0x2  }
0xba: {  	s3 =	sand.u32 $0x4000, s31;
	s1 =	sadd.s32 s1, s30  }
0xbb: {  	s0 =	sor.u32 s3, s0;
	s1 =	sshll.u32 s1, $0x11  }
0xbc: {  	s0 =	sor.u32 s1, s0  }
0xbd: {  	s0 =	sadd.s32 $0x8F2B, s0  }
0xbe: {  	[sflag:s0] =	ssyncadd.remote.s32 $0x1  }
0xbf: {  	_ =	sfence.sel $0xFFFF  }
0xc0: {  	[dreg:$0x0] =	wrdreg $0xFFFFFFFF;
	(pc) =	sbr.abs _section_cstart, $3  }
0xc1: {  	[dreg:$0x1] =	wrdreg $0xFFFFFFFF  }
0xc2: {  	_ =	task.clear_ibuf [dreg:s7], $0x2FFFF;
	_ =	strace $0x9FFFFFFF  }
0xc3: {  	(tm) =	ssettm $0x7FFFFFFF  }
tec
execute0_lowered:
.L_overlay_start_1:
0x0: {  	(tag) =	ssettag $0x1  }
0x1: {  	s1 =	rddreg [dreg:$0x0]  }
0x2: {  	s2 =	srdreg.scid;
	s6 =	rddreg [dreg:$0x1]  }
0x3: {  	s0 =	stileid.u32;
	s3 =	rddreg [dreg:$0x2];
	s4 =	simm.s32 $0x0  }
0x4: {  	s11 =	simm.s32 $0x5000;
	s14 =	simm.s32 $0x80;
	s15 =	simm.s32 $0xA000  }
0x5: {  	s16 =	simm.s32 $0xC000;
	s17 =	simm.s32 $0x100;
	s18 =	simm.s32 $0xE000  }
0x6: {  	s19 =	simm.s32 $0x180;
	s20 =	simm.s32 $0x10000;
	s21 =	simm.s32 $0x1  }
0x7: {  	s22 =	simm.s32 $0x2;
	s23 =	simm.s32 $0x3;
	s24 =	simm.s32 $0x4  }
0x8: {  	s25 =	simm.s32 $0x9E00;
	s28 =	simm.s32 $0x9F00;
	s5 =	smul.u32 $0x5000, s0  }
0x9: {  	s29 =	simm.s32 $0x9F80;
	s2 =	sand.u32 $0x1, s2;
	s8 =	smul.u32 $0x9E00, s0  }
0xa: {  	s30 =	simm.s32 $0x0;
	[smem:$0x7FF] =	sst s4;
	s7 =	smul.u32 $0x50000, s2  }
0xb: {  	s31 =	sshll.u32 s0, $0x6;
	s9 =	smul.u32 $0x9E000, s2;
	s2 =	ssub.s32 $0x2, s2  }
0xc: {  	_ =	strace $0x8000004D;
	s12 =	sor.u32 $0x1C05, s31;
	s26 =	sshrl.u32 s2, $0x1  }
0xd: {  	s13 =	sadd.s32 s8, s3;
	s7 =	sadd.s32 s5, s7;
	s5 =	sshrl.u32 s5, $0x3  }
0xe: {  	s9 =	sadd.s32 s8, s9;
	s2 =	ssub.s32 s2, s26;
	s13 =	sshrl.u32 s13, $0x3  }
0xf: {  	s26 =	simm.s32 $0x9E80;
	s7 =	sshrl.u32 s7, $0x3;
	s10 =	sadd.s32 s5, s6  }
0x10: {  	s9 =	sshrl.u32 s9, $0x3;
	s5 =	sadd.s32 $0x49600, s6;
	s7 =	sadd.s32 s7, s6  }
0x11: {  	s9 =	sadd.s32 s9, s6;
	s6 =	sadd.s32 $0xE400, s7;
	s7 =	sadd.s32 $0x3C00, s10  }
0x12: {  	s8 =	sadd.s32 $0x4AA00, s9;
	s9 =	smax.u32 s2, $0x1;
	s10 =	simm.s32 $0x5  }
.LBB2_1:
0x13: {  	[tilespmem:s4], [sflag:$0x5] =	stream.linear.gather [hbm4b:s6+s4], $0x5000, $0x38;
	[tilespmem:$0x1BE00] =	vst v63  }
0x14: {  	_ =	swait.ge [sflag:s10], $0x5000  }
0x15: {  	[sflag:s10] =	ssyncset.done $0x0  }
0x16: {  	[sflag:s10] =	ssyncadd.s32 $0xFFFFB000  }
0x17: {  	[tilespmem:s11], [sflag:$0x5] =	stream.linear.gather [hbm4b:s7+s4], $0x5000, $0x38;
	[tilespmem:$0x1BE00] =	vst v63  }
0x18: {  	_ =	swait.ge [sflag:s10], $0x5000  }
0x19: {  	[sflag:s10] =	ssyncset.done $0x0  }
0x1a: {  	[sflag:s10] =	ssyncadd.s32 $0xFFFFB000  }
0x1b: {  	[spmem:s13], [sflag:s12] =	dma.local [hbm:s5], $0x13C0  }
0x1c: {  	_ =	swait.ge [sflag:s10], $0x13C0  }
0x1d: {  	[sflag:s10] =	ssyncset.done $0x0  }
0x1e: {  	[sflag:s10] =	ssyncadd.s32 $0xFFFFEC40  }
0x1f: {  	[bflag:$0x0] =	sbarrier.arrive $0xFFFF  }
0x20: {  	[tilespmem:s15], [sflag:$0x1] =	stream.indirect.gather [hbm4b:s1+s14], $0x40, s4, s14, $0xb8;
	[tilespmem:$0x1BE00] =	vst v63  }
0x21: {  	_ = 	snop  }
0x22: {  	[tilespmem:s16], [sflag:$0x2] =	stream.indirect.gather [hbm4b:s1+s14], $0x40, s14, s14, $0xb8;
	[tilespmem:$0x1BE00] =	vst v63  }
0x23: {  	_ = 	snop  }
0x24: {  	[tilespmem:s18], [sflag:$0x3] =	stream.indirect.gather [hbm4b:s1+s14], $0x40, s17, s14, $0xb8;
	[tilespmem:$0x1BE00] =	vst v63  }
0x25: {  	_ = 	snop  }
0x26: {  	[tilespmem:s20], [sflag:$0x4] =	stream.indirect.gather [hbm4b:s1+s14], $0x40, s19, s14, $0xb8;
	[tilespmem:$0x1BE00] =	vst v63  }
0x27: {  	_ =	swait.ge [sflag:s21], $0x2000  }
0x28: {  	[sflag:s21] =	ssyncset.done $0x0  }
0x29: {  	s2 =	simm.s32 $0x5000;
	[sflag:s21] =	ssyncadd.s32 $0xFFFFE000  }
0x2a: {  	[spmem:s3] =	stream.indirect.scatter.add.f32 [tilespmem:s15], [sflag:$0x5], $0x40, s2, s14, $0xb8;
	[tilespmem:$0x1BE00] =	vst v63  }
0x2b: {  	_ =	swait.ge [sflag:s10], $0x2000  }
0x2c: {  	[sflag:s10] =	ssyncset.done $0x0  }
0x2d: {  	s0 =	simm.s32 $0x200;
	[sflag:s10] =	ssyncadd.s32 $0xFFFFE000  }
0x2e: {  	[tilespmem:s15], [sflag:$0x1] =	stream.indirect.gather [hbm4b:s1+s14], $0x40, s0, s14, $0xb8;
	[tilespmem:$0x1BE00] =	vst v63  }
0x2f: {  	_ =	swait.ge [sflag:s22], $0x2000  }
0x30: {  	[sflag:s22] =	ssyncset.done $0x0  }
0x31: {  	s0 =	simm.s32 $0x5080;
	[sflag:s22] =	ssyncadd.s32 $0xFFFFE000  }
0x32: {  	[spmem:s3] =	stream.indirect.scatter.add.f32 [tilespmem:s16], [sflag:$0x5], $0x40, s0, s14, $0xb8;
	[tilespmem:$0x1BE00] =	vst v63  }
0x33: {  	_ =	swait.ge [sflag:s10], $0x2000  }
0x34: {  	[sflag:s10] =	ssyncset.done $0x0  }
0x35: {  	s0 =	simm.s32 $0x280;
	[sflag:s10] =	ssyncadd.s32 $0xFFFFE000  }
0x36: {  	[tilespmem:s16], [sflag:$0x2] =	stream.indirect.gather [hbm4b:s1+s14], $0x40, s0, s14, $0xb8;
	[tilespmem:$0x1BE00] =	vst v63  }
0x37: {  	_ =	swait.ge [sflag:s23], $0x2000  }
0x38: {  	[sflag:s23] =	ssyncset.done $0x0  }
0x39: {  	s0 =	simm.s32 $0x5100;
	[sflag:s23] =	ssyncadd.s32 $0xFFFFE000  }
0x3a: {  	[spmem:s3] =	stream.indirect.scatter.add.f32 [tilespmem:s18], [sflag:$0x5], $0x40, s0, s14, $0xb8;
	[tilespmem:$0x1BE00] =	vst v63  }
0x3b: {  	_ =	swait.ge [sflag:s10], $0x2000  }
0x3c: {  	[sflag:s10] =	ssyncset.done $0x0  }
0x3d: {  	s0 =	simm.s32 $0x300;
	[sflag:s10] =	ssyncadd.s32 $0xFFFFE000  }
0x3e: {  	[tilespmem:s18], [sflag:$0x3] =	stream.indirect.gather [hbm4b:s1+s14], $0x40, s0, s14, $0xb8;
	[tilespmem:$0x1BE00] =	vst v63  }
0x3f: {  	_ =	swait.ge [sflag:s24], $0x2000  }
0x40: {  	[sflag:s24] =	ssyncset.done $0x0  }
0x41: {  	s0 =	simm.s32 $0x5180;
	[sflag:s24] =	ssyncadd.s32 $0xFFFFE000  }
0x42: {  	[spmem:s3] =	stream.indirect.scatter.add.f32 [tilespmem:s20], [sflag:$0x5], $0x40, s0, s14, $0xb8;
	[tilespmem:$0x1BE00] =	vst v63  }
0x43: {  	_ =	swait.ge [sflag:s10], $0x2000  }
0x44: {  	[sflag:s10] =	ssyncset.done $0x0  }
0x45: {  	s31 =	simm.s32 $0x800;
	s2 =	simm.s32 $0x380;
	[sflag:s10] =	ssyncadd.s32 $0xFFFFE000  }
.LBB2_2:
0x46: {  	[tilespmem:s20], [sflag:$0x4] =	stream.indirect.gather [hbm4b:s1+s14], $0x40, s2, s14, $0xb8;
	[tilespmem:$0x1BE00] =	vst v63  }
0x47: {  	s2 =	smov.u32 s31  }
0x48: {  	p0 =	sne.s32 s31, $0x13000;
	s31 =	sadd.s32 $0x800, s31;
	_ =	swait.ge [sflag:s21], $0x2000  }
0x49: {  	s2 =	sshra.s32 s2, $0x2;
	[sflag:s21] =	ssyncset.done $0x0  }
0x4a: {  	s0 =	sadd.s32 $0x5000, s2;
	[sflag:s21] =	ssyncadd.s32 $0xFFFFE000  }
0x4b: {  	[spmem:s3] =	stream.indirect.scatter.add.f32 [tilespmem:s15], [sflag:$0x5], $0x40, s0, s14, $0xb8;
	[tilespmem:$0x1BE00] =	vst v63  }
0x4c: {  	_ =	swait.ge [sflag:s10], $0x2000  }
0x4d: {  	[sflag:s10] =	ssyncset.done $0x0  }
0x4e: {  	s0 =	sadd.s32 $0x200, s2;
	[sflag:s10] =	ssyncadd.s32 $0xFFFFE000  }
0x4f: {  	[tilespmem:s15], [sflag:$0x1] =	stream.indirect.gather [hbm4b:s1+s14], $0x40, s0, s14, $0xb8;
	[tilespmem:$0x1BE00] =	vst v63  }
0x50: {  	_ =	swait.ge [sflag:s22], $0x2000  }
0x51: {  	[sflag:s22] =	ssyncset.done $0x0  }
0x52: {  	s0 =	sadd.s32 $0x5080, s2;
	[sflag:s22] =	ssyncadd.s32 $0xFFFFE000  }
0x53: {  	[spmem:s3] =	stream.indirect.scatter.add.f32 [tilespmem:s16], [sflag:$0x5], $0x40, s0, s14, $0xb8;
	[tilespmem:$0x1BE00] =	vst v63  }
0x54: {  	_ =	swait.ge [sflag:s10], $0x2000  }
0x55: {  	[sflag:s10] =	ssyncset.done $0x0  }
0x56: {  	s0 =	sadd.s32 $0x280, s2;
	[sflag:s10] =	ssyncadd.s32 $0xFFFFE000  }
0x57: {  	[tilespmem:s16], [sflag:$0x2] =	stream.indirect.gather [hbm4b:s1+s14], $0x40, s0, s14, $0xb8;
	[tilespmem:$0x1BE00] =	vst v63  }
0x58: {  	_ =	swait.ge [sflag:s23], $0x2000  }
0x59: {  	[sflag:s23] =	ssyncset.done $0x0  }
0x5a: {  	s0 =	sadd.s32 $0x5100, s2;
	[sflag:s23] =	ssyncadd.s32 $0xFFFFE000  }
0x5b: {  	[spmem:s3] =	stream.indirect.scatter.add.f32 [tilespmem:s18], [sflag:$0x5], $0x40, s0, s14, $0xb8;
	[tilespmem:$0x1BE00] =	vst v63  }
0x5c: {  	_ =	swait.ge [sflag:s10], $0x2000  }
0x5d: {  	[sflag:s10] =	ssyncset.done $0x0  }
0x5e: {  	s0 =	sadd.s32 $0x300, s2;
	[sflag:s10] =	ssyncadd.s32 $0xFFFFE000  }
0x5f: {  	[tilespmem:s18], [sflag:$0x3] =	stream.indirect.gather [hbm4b:s1+s14], $0x40, s0, s14, $0xb8;
	[tilespmem:$0x1BE00] =	vst v63  }
0x60: {  	_ =	swait.ge [sflag:s24], $0x2000  }
0x61: {  	[sflag:s24] =	ssyncset.done $0x0  }
.Ltmp0:
0x62: {  	s0 =	sadd.s32 $0x5180, s2;
	[sflag:s24] =	ssyncadd.s32 $0xFFFFE000;
	(pc) =	sbr.rel @p0 .LBB2_2-.Ltmp0, $4  }
0x63: {  	[spmem:s3] =	stream.indirect.scatter.add.f32 [tilespmem:s20], [sflag:$0x5], $0x40, s0, s14, $0xb8;
	[tilespmem:$0x1BE00] =	vst v63  }
0x64: {  	_ =	swait.ge [sflag:s10], $0x2000  }
0x65: {  	[sflag:s10] =	ssyncset.done $0x0  }
0x66: {  	s2 =	sadd.s32 $0x380, s2;
	[sflag:s10] =	ssyncadd.s32 $0xFFFFE000  }
0x67: {  	[tilespmem:s20], [sflag:$0x4] =	stream.indirect.gather [hbm4b:s1+s14], $0x40, s2, s14, $0xb8;
	[tilespmem:$0x1BE00] =	vst v63  }
0x68: {  	_ =	swait.ge [sflag:s21], $0x2000  }
0x69: {  	[sflag:s21] =	ssyncset.done $0x0  }
0x6a: {  	[sflag:s21] =	ssyncadd.s32 $0xFFFFE000  }
0x6b: {  	[spmem:s3] =	stream.indirect.scatter.add.f32 [tilespmem:s15], [sflag:$0x5], $0x40, s25, s14, $0xb8;
	[tilespmem:$0x1BE00] =	vst v63  }
0x6c: {  	_ =	swait.ge [sflag:s10], $0x2000  }
0x6d: {  	[sflag:s10] =	ssyncset.done $0x0  }
0x6e: {  	[sflag:s10] =	ssyncadd.s32 $0xFFFFE000  }
0x6f: {  	_ =	swait.ge [sflag:s22], $0x2000  }
0x70: {  	[sflag:s22] =	ssyncset.done $0x0  }
0x71: {  	[sflag:s22] =	ssyncadd.s32 $0xFFFFE000  }
0x72: {  	[spmem:s3] =	stream.indirect.scatter.add.f32 [tilespmem:s16], [sflag:$0x5], $0x40, s26, s14, $0xb8;
	[tilespmem:$0x1BE00] =	vst v63  }
0x73: {  	_ =	swait.ge [sflag:s10], $0x2000  }
0x74: {  	[sflag:s10] =	ssyncset.done $0x0  }
0x75: {  	[sflag:s10] =	ssyncadd.s32 $0xFFFFE000  }
0x76: {  	_ =	swait.ge [sflag:s23], $0x2000  }
0x77: {  	[sflag:s23] =	ssyncset.done $0x0  }
0x78: {  	[sflag:s23] =	ssyncadd.s32 $0xFFFFE000  }
0x79: {  	[spmem:s3] =	stream.indirect.scatter.add.f32 [tilespmem:s18], [sflag:$0x5], $0x40, s28, s14, $0xb8;
	[tilespmem:$0x1BE00] =	vst v63  }
0x7a: {  	_ =	swait.ge [sflag:s10], $0x2000  }
0x7b: {  	[sflag:s10] =	ssyncset.done $0x0  }
0x7c: {  	[sflag:s10] =	ssyncadd.s32 $0xFFFFE000  }
0x7d: {  	_ =	swait.ge [sflag:s24], $0x2000  }
0x7e: {  	[sflag:s24] =	ssyncset.done $0x0  }
0x7f: {  	[sflag:s24] =	ssyncadd.s32 $0xFFFFE000  }
0x80: {  	[spmem:s3] =	stream.indirect.scatter.add.f32 [tilespmem:s20], [sflag:$0x5], $0x40, s29, s14, $0xb8;
	[tilespmem:$0x1BE00] =	vst v63  }
0x81: {  	_ =	swait.ge [sflag:s10], $0x2000  }
0x82: {  	s30 =	sadd.s32 $0x1, s30;
	[sflag:s10] =	ssyncset.done $0x0  }
0x83: {  	p0 =	sne.s32 s30, s9;
	[sflag:s10] =	ssyncadd.s32 $0xFFFFE000  }
.Ltmp1:
0x84: {  	[bflag:$0x0] =	sbarrier.arrive $0xFFFF;
	(pc) =	sbr.rel @p0 .LBB2_1-.Ltmp1, $4  }
0x85: {  	[hbm:s8], [sflag:s12] =	dma.local [spmem:s13], $0x13C0  }
0x86: {  	_ =	swait.ge [sflag:s10], $0x13C0  }
0x87: {  	[sflag:s10] =	ssyncset.done $0x0  }
0x88: {  	[sflag:s10] =	ssyncadd.s32 $0xFFFFEC40  }
0x89: {  	_ =	sfence.sel $0x180000  }
0x8a: {  	[bflag:$0x0] =	sbarrier.arrive $0xFFFF  }
0x8b: {  	_ =	strace $0x9000004D  }
0x8c: {  	s0 =	stileid.u32;
	[bflag:$0x2] =	sbarrier.arrive $0xFFFF  }
0x8d: {  	p0 =	sne.s32 s0, $0x0;
	s0 =	rddreg [dreg:$0x3]  }
0x8e: {  	s0 =	sadd.s32 @!p0 $0x100000, s0  }
0x8f: {  	[sflag:s0] =	ssyncadd.tile.s32 @!p0 $0x1;
	_ =	shalt  }
.Lfunc_end2:
_tile_overlayer_lowered:
.L_overlay_start_2:
0x90: {  	(tag) =	ssettag $0x2  }
0x91: {  	s0 =	rddreg [dreg:$0x0];
	s2 =	stileid.u32  }
0x92: {  	s1 =	rddreg [dreg:$0x1];
	p0 =	sne.s32 s2, $0x0  }
0x93: {  	s3 =	rddreg [dreg:$0x2];
	[bflag:$0x3] =	sbarrier.arrive $0xFFFF;
	s2 =	simm.s32 @!p0 $0x1C05  }
0x94: {  	[timem:s3], [sflag:s2] =	dma.local @!p0 [hbm:s0], s1  }
0x95: {  	s0 =	simm.s32 @!p0 $0x5  }
0x96: {  	_ =	swait.ge @!p0 [sflag:s0], s1  }
0x97: {  	s1 =	ssub.s32 @!p0 $0x0, s1;
	[sflag:s0] =	ssyncset.done @!p0 $0x0  }
0x98: {  	[sflag:s0] =	ssyncadd.s32 @!p0 s1  }
0x99: {  	[bflag:$0x3] =	sbarrier.arrive $0xFFFF  }
0x9a: {  	_ =	shalt  }

// kernel: kernel.8.cloned.1.call-start
scs
__scs_entry_jumppad:
0x0: {  	(pc) =	sbr.rel $0x88, $3  }
0x1: {  	(tag) =	ssettag $0x0;
	lr =	simm.s32 $0x1  }
0x2: {  	[smem:$0x3F99] =	sst lr;
	_ =	strace $0xD0000000  }
0x3: {  	_ = 	snop  }
0x4: {  	_ = 	snop  }
0x5: {  	_ = 	snop  }
0x6: {  	_ = 	snop  }
0x7: {  	_ = 	snop  }
__scs_overlays_trampoline_lowered:
0x8: {  	[smem:$0x3FA8] =	sst s0  }
0x9: {  	[smem:$0x3FA9] =	sst s1  }
0xa: {  	[smem:$0x3FAA] =	sst s2  }
0xb: {  	[smem:$0x3FAB] =	sst s3  }
0xc: {  	[smem:$0x3FAC] =	sst s4  }
0xd: {  	[smem:$0x3FAD] =	sst s5  }
0xe: {  	[smem:$0x3FAE] =	sst s6  }
0xf: {  	[smem:$0x3FAF] =	sst s7  }
0x10: {  	[smem:$0x3FB0] =	sst s8  }
0x11: {  	[smem:$0x3FB1] =	sst s9;
	s0 =	simm.s32 @!p0 $0x0  }
0x12: {  	s1 =	sld [smem:$0x3F97];
	s0 =	simm.s32 @p0 $0x1  }
0x13: {  	[smem:$0x3FB2] =	sst s0;
	s0 =	simm.s32 @!p1 $0x0  }
0x14: {  	s2 =	sld [smem:$0x3F96];
	s0 =	simm.s32 @p1 $0x1  }
0x15: {  	[smem:$0x3FB3] =	sst s0;
	s0 =	simm.s32 @!p2 $0x0  }
0x16: {  	s3 =	sld [smem:$0x3FDB];
	s0 =	simm.s32 @p2 $0x1  }
0x17: {  	s4 =	simm.s32 $0x1BF5;
	[smem:$0x3FB5] =	sst s0  }
0x18: {  	s0 =	sld [smem:$0x3F98];
	_ =	swait.ge [sflag:s4], $0x0  }
0x19: {  	s7 =	sld [smem:$0x3F99]  }
0x1a: {  	s8 =	sadd.s32 $0xFFFFE003, lr  }
0x1b: {  	s9 =	sadd.s32 $0xFFFFFEF7, lr;
	s5 =	simm.s32 $0xFFFFFFFF;
	p2 =	slt.u32 s8, $0xFFFFF086  }
0x1c: {  	p1 =	slt.u32 s9, $0xF7A;
	s5 =	simm.s32 @!p2 $0x0  }
0x1d: {  	s5 =	simm.s32 @p1 $0x1;
	p0 =	seq.s32 s7, s2  }
0x1e: {  	s7 =	smul.u32 @!p0 $0xF7A, s2;
	p2 =	seq.s32 @!p0 s5, $0x0  }
0x1f: {  	s9 =	smul.u32 $0xF7A, s1;
	s8 =	simm.s32 @!p0 $0x1BF5;
	p2 =	por !p2, p0  }
0x20: {  	[sflag:s8] =	ssyncset.s32 @!p0 $0xFFFFF086;
	s6 =	sadd.s32 @!p0 s3, s7;
	s7 =	simm.s32 @!p0 $0x108  }
0x21: {  	s3 =	sadd.s32 s3, s9;
	s6 =	sadd.s32 @!p0 $0x88, s6;
	s7 =	simm.s32 @p2 $0x1082  }
0x22: {  	[simem:s7], [sflag:s8] =	dma.local @!p0 [hbm:s6], $0xF7A  }
0x23: {  	s9 =	sor.u32 $0xD0000000, s2;
	s6 =	simm.s32 $0x108;
	_ =	swait.ge @!p0 [sflag:s8], $0x0  }
0x24: {  	s3 =	sadd.s32 $0x88, s3;
	s6 =	simm.s32 @!p1 $0x1082;
	[sflag:s4] =	ssyncset.s32 $0xFFFFF086  }
0x25: {  	[simem:s6], [sflag:s4] =	dma.local [hbm:s3], $0xF7A  }
0x26: {  	[smem:$0x3F99] =	sst s1;
	(tag) =	ssettag s2;
	_ =	strace s9  }
0x27: {  	s1 =	sld [smem:$0x3FA9]  }
0x28: {  	s2 =	sld [smem:$0x3FAA]  }
0x29: {  	s4 =	sld [smem:$0x3FAC]  }
0x2a: {  	p0 =	seq.s32 s5, $0x0;
	s5 =	sld [smem:$0x3FAD]  }
0x2b: {  	s6 =	sld [smem:$0x3FAE]  }
0x2c: {  	s7 =	sld [smem:$0x3FAF]  }
0x2d: {  	s3 =	simm.s32 $0x108;
	s8 =	sld [smem:$0x3FB0]  }
0x2e: {  	s3 =	simm.s32 @!p0 $0x1082;
	s9 =	sld [smem:$0x3FB1]  }
0x2f: {  	lr =	sadd.s32 s0, s3;
	s0 =	sld [smem:$0x3FA8]  }
0x30: {  	s3 =	sld [smem:$0x3FAB]  }
0x31: {  	[smem:$0x3FB4] =	sst s10  }
0x32: {  	s10 =	sld [smem:$0x3FB2];
	_ =	sdelay $0x3  }
0x33: {  	p0 =	seq.s32 s10, $0x1;
	s10 =	sld [smem:$0x3FB4];
	_ =	sdelay $0x3  }
0x34: {  	[smem:$0x3FB4] =	sst s10  }
0x35: {  	s10 =	sld [smem:$0x3FB3];
	_ =	sdelay $0x3  }
0x36: {  	p1 =	seq.s32 s10, $0x1;
	s10 =	sld [smem:$0x3FB4];
	_ =	sdelay $0x3  }
0x37: {  	[smem:$0x3FB4] =	sst s10  }
0x38: {  	s10 =	sld [smem:$0x3FB5]  }
0x39: {  	_ = 	snop;
	(pc) =	sbr.ind lr, $3  }
0x3a: {  	_ = 	snop  }
0x3b: {  	_ = 	snop  }
0x3c: {  	p2 =	seq.s32 s10, $0x1;
	s10 =	sld [smem:$0x3FB4]  }
0x3d: {  	_ =	shalt  }
0x3e: {  	_ =	shalt  }
0x3f: {  	_ =	shalt  }
0x40: {  	_ =	shalt  }
0x41: {  	_ =	shalt  }
0x42: {  	_ =	shalt  }
0x43: {  	_ =	shalt  }
0x44: {  	_ =	shalt  }
0x45: {  	_ =	shalt  }
0x46: {  	_ =	shalt  }
0x47: {  	_ =	shalt  }
0x48: {  	_ =	shalt  }
0x49: {  	_ =	shalt  }
0x4a: {  	_ =	shalt  }
0x4b: {  	_ =	shalt  }
0x4c: {  	_ =	shalt  }
0x4d: {  	_ =	shalt  }
0x4e: {  	_ =	shalt  }
0x4f: {  	_ =	shalt  }
0x50: {  	_ =	shalt  }
0x51: {  	_ =	shalt  }
0x52: {  	_ =	shalt  }
0x53: {  	_ =	shalt  }
0x54: {  	_ =	shalt  }
0x55: {  	_ =	shalt  }
0x56: {  	_ =	shalt  }
0x57: {  	_ =	shalt  }
0x58: {  	_ =	shalt  }
0x59: {  	_ =	shalt  }
0x5a: {  	_ =	shalt  }
0x5b: {  	_ =	shalt  }
0x5c: {  	_ =	shalt  }
0x5d: {  	_ =	shalt  }
0x5e: {  	_ =	shalt  }
0x5f: {  	_ =	shalt  }
0x60: {  	_ =	shalt  }
0x61: {  	_ =	shalt  }
0x62: {  	_ =	shalt  }
0x63: {  	_ =	shalt  }
0x64: {  	_ =	shalt  }
0x65: {  	_ =	shalt  }
0x66: {  	_ =	shalt  }
0x67: {  	_ =	shalt  }
0x68: {  	_ =	shalt  }
0x69: {  	_ =	shalt  }
0x6a: {  	_ =	shalt  }
0x6b: {  	_ =	shalt  }
0x6c: {  	_ =	shalt  }
0x6d: {  	_ =	shalt  }
0x6e: {  	_ =	shalt  }
0x6f: {  	_ =	shalt  }
0x70: {  	_ =	shalt  }
0x71: {  	_ =	shalt  }
0x72: {  	_ =	shalt  }
0x73: {  	_ =	shalt  }
0x74: {  	_ =	shalt  }
0x75: {  	_ =	shalt  }
0x76: {  	_ =	shalt  }
0x77: {  	_ =	shalt  }
0x78: {  	_ =	shalt  }
0x79: {  	_ =	shalt  }
0x7a: {  	_ =	shalt  }
0x7b: {  	_ =	shalt  }
0x7c: {  	_ =	shalt  }
0x7d: {  	_ =	shalt  }
0x7e: {  	_ =	shalt  }
0x7f: {  	_ =	shalt  }
0x80: {  	_ =	shalt  }
0x81: {  	_ =	shalt  }
0x82: {  	_ =	shalt  }
0x83: {  	_ =	shalt  }
0x84: {  	_ =	shalt  }
0x85: {  	_ =	shalt  }
0x86: {  	_ =	shalt  }
0x87: {  	_ =	shalt  }
.Lfunc_end0:
.L_simem_size_0:
called_computation_lowered:
.L_overlay_start_0:
0x88: {  	s2 =	sld [smem:$0x3FD9]  }
0x89: {  	s3 =	sld [smem:$0x3FFE];
	_ =	sdelay $0x1  }
0x8a: {  	s1 =	srdreg.scid  }
0x8b: {  	s0 =	sand.u32 $0x1, s1  }
0x8c: {  	s17 =	sshll.u32 s0, $0xA;
	s2 =	sadd.s32 s3, s2  }
0x8d: {  	s2 =	sadd.s32 s2, s17  }
0x8e: {  	[smem:$0x3FC0] =	sst s2  }
0x8f: {  	_ = 	snop  }
0x90: {  	s2 =	sld [smem:$0x3FD0];
	(tm) =	ssettm $0x1  }
0x91: {  	s18 =	sld [smem:$0x3FFB];
	_ =	sdelay $0x3  }
0x92: {  	_ =	strace s18  }
0x93: {  	s3 =	sld [smem:$0x3FFC];
	_ =	sdelay $0x3  }
0x94: {  	_ =	strace s3  }
0x95: {  	s3 =	sld [smem:$0x3FFD];
	_ =	sdelay $0x3  }
0x96: {  	_ =	strace s3  }
0x97: {  	_ =	strace $0x8FFFFFFF  }
0x98: {  	s19 =	sld [smem:$0x3FDB];
	_ =	sdelay $0x1  }
0x99: {  	s4 =	simm.s32 $_scs_section_size  }
0x9a: {  	s5 =	simm.s32 $_size__tile_overlayer_lowered;
	s6 =	simm.s32 $_tile_overlayer_lowered  }
0x9b: {  	s22 =	simm.s32 $0x1BFF;
	s21 =	sshll.u32 s6, $0x1;
	s3 =	sadd.s32 s4, s19  }
0x9c: {  	s7 =	simm.s32 $0x0;
	s20 =	sshll.u32 s5, $0x1;
	s5 =	sadd.s32 s21, s3  }
0x9d: {  	[timem:s7], [sflag:s22] =	dma.local [hbm:s5], s20  }
0x9e: {  	_ =	swait.ge [sflag:s22], s20  }
0x9f: {  	s4 =	ssub.s32 $0x0, s20;
	[sflag:s22] =	ssyncset.done $0x0  }
0xa0: {  	[sflag:s22] =	ssyncadd.s32 s4;
	_ =	sdelay $0x1  }
0xa1: {  	s23 =	simm.s32 $0x1B8B  }
0xa2: {  	_ =	swait.ge [sflag:s23], $0x1  }
0xa3: {  	[sflag:s23] =	ssyncset.done $0x0  }
0xa4: {  	s25 =	simm.s32 $0x1B8E;
	s24 =	sld [smem:$0x3FFE];
	[sflag:s23] =	ssyncadd.s32 $0xFFFFFFFF  }
0xa5: {  	s26 =	simm.s32 $execute0_lowered;
	[smem:$0x3FD2] =	sst s25  }
0xa6: {  	s5 =	sshll.u32 s26, $0x1;
	_ =	strace $0x80000046;
	[dreg:$0x1] =	wrdreg $0xFFFFFFFF  }
0xa7: {  	s28 =	simm.s32 $_size_execute0_lowered;
	s3 =	sadd.s32 s3, s5;
	[dreg:$0x0] =	wrdreg $0x0  }
0xa8: {  	s5 =	sshll.u32 s28, $0x1;
	[dreg:$0x2] =	wrdreg s3  }
0xa9: {  	[dreg:$0x3] =	wrdreg s5  }
0xaa: {  	[dreg:$0x4] =	wrdreg $0xC0  }
0xab: {  	_ =	task [dreg:s7], $0x5FFFF  }
0xac: {  	[dreg:$0x1] =	wrdreg $0xFFFFFFFF  }
0xad: {  	[dreg:$0x0] =	wrdreg $0x60  }
0xae: {  	[dreg:$0x2] =	wrdreg s24  }
0xaf: {  	[dreg:$0x3] =	wrdreg s2  }
0xb0: {  	[dreg:$0x4] =	wrdreg $0x30000  }
0xb1: {  	[dreg:$0x5] =	wrdreg $0x9  }
0xb2: {  	_ =	task.clear_ibuf [dreg:s7], $0x6FFFF;
	_ =	strace $0x90000046  }
0xb3: {  	s29 =	simm.s32 $0x9;
	_ =	strace $0x80000048  }
0xb4: {  	_ =	swait.ge [sflag:s29], $0x1  }
0xb5: {  	[sflag:s29] =	ssyncadd.s32 $0xFFFFFFFF  }
0xb6: {  	_ =	strace $0x90000048  }
0xb7: {  	_ =	sfence  }
0xb8: {  	s30 =	sld [smem:$0x0];
	_ =	sdelay $0x2  }
0xb9: {  	s31 =	sshll.u32 s1, $0xD;
	s1 =	sshrl.u32 s1, $0x2  }
0xba: {  	s3 =	sand.u32 $0x4000, s31;
	s1 =	sadd.s32 s1, s30  }
0xbb: {  	s0 =	sor.u32 s3, s0;
	s1 =	sshll.u32 s1, $0x11  }
0xbc: {  	s0 =	sor.u32 s1, s0  }
0xbd: {  	s0 =	sadd.s32 $0x8F2B, s0  }
0xbe: {  	[sflag:s0] =	ssyncadd.remote.s32 $0x1  }
0xbf: {  	_ =	sfence.sel $0xFFFF  }
0xc0: {  	[dreg:$0x0] =	wrdreg $0xFFFFFFFF;
	(pc) =	sbr.abs _section_cstart, $3  }
0xc1: {  	[dreg:$0x1] =	wrdreg $0xFFFFFFFF  }
0xc2: {  	_ =	task.clear_ibuf [dreg:s7], $0x2FFFF;
	_ =	strace $0x9FFFFFFF  }
0xc3: {  	(tm) =	ssettm $0x7FFFFFFF  }
tec
execute0_lowered:
.L_overlay_start_1:
0x0: {  	(tag) =	ssettag $0x1  }
0x1: {  	s5 =	rddreg [dreg:$0x0]  }
0x2: {  	s7 =	rddreg [dreg:$0x1]  }
0x3: {  	s0 =	srdreg.scid;
	s2 =	rddreg [dreg:$0x2]  }
0x4: {  	s3 =	simm.s32 $0x0;
	s13 =	simm.s32 $0x80;
	s14 =	simm.s32 $0x0  }
0x5: {  	s4 =	sand.u32 $0x1, s0;
	s0 =	stileid.u32;
	[smem:$0x7FF] =	sst s3  }
0x6: {  	s1 =	sshll.u32 s4, $0x4;
	s8 =	smul.u32 $0x2780, s0;
	s9 =	ssub.s32 $0x2, s4  }
0x7: {  	s10 =	smul.u32 $0x27800, s4;
	s4 =	sadd.s32 $0xDC00, s5;
	s31 =	sshll.u32 s0, $0x6  }
0x8: {  	s6 =	sor.u32 s0, s1;
	s1 =	rddreg [dreg:$0x3];
	s11 =	sshrl.u32 s9, $0x1  }
0x9: {  	_ =	strace $0x80000047;
	s6 =	smul.u32 $0x500, s6;
	s9 =	ssub.s32 s9, s11  }
0xa: {  	s10 =	sadd.s32 s8, s10;
	s12 =	sadd.s32 s8, s2;
	s11 =	sor.u32 $0x1C01, s31  }
0xb: {  	s30 =	sshrl.u32 s10, $0x3;
	s8 =	smax.u32 s9, $0x1;
	s9 =	simm.s32 $0x1  }
0xc: {  	s10 =	simm.s32 $0x2800;
	s12 =	sshrl.u32 s12, $0x3;
	s6 =	sadd.s32 s6, s5  }
0xd: {  	s5 =	sadd.s32 $0xE200, s5;
	s7 =	sadd.s32 s7, s30;
	s6 =	sadd.s32 $0x3C00, s6  }
.LBB2_1:
0xe: {  	[tilespmem:s3], [sflag:$0x1] =	stream.linear.gather [hbm4b:s6+s3], $0x2800, $0x38;
	[tilespmem:$0x5780] =	vst v63  }
0xf: {  	_ =	swait.ge [sflag:s9], $0x2800  }
0x10: {  	[sflag:s9] =	ssyncset.done $0x0  }
0x11: {  	[sflag:s9] =	ssyncadd.s32 $0xFFFFD800  }
0x12: {  	[tilespmem:s10], [sflag:$0x1] =	stream.linear.gather [hbm4b:s5+s3], $0x800, $0x38;
	[tilespmem:$0x5780] =	vst v63  }
0x13: {  	_ =	swait.ge [sflag:s9], $0x800  }
0x14: {  	[sflag:s9] =	ssyncset.done $0x0  }
0x15: {  	[sflag:s9] =	ssyncadd.s32 $0xFFFFF800  }
0x16: {  	[spmem:s12], [sflag:s11] =	dma.local [hbm:s4], $0x4F0  }
0x17: {  	_ =	swait.ge [sflag:s9], $0x4F0  }
0x18: {  	[sflag:s9] =	ssyncset.done $0x0  }
0x19: {  	[sflag:s9] =	ssyncadd.s32 $0xFFFFFB10  }
0x1a: {  	s15 =	simm.s32 $0x0;
	[bflag:$0x0] =	sbarrier.arrive $0xFFFF  }
0x1b: {  	[spmem:s2] =	stream.indirect.scatter.add.f32 [tilespmem:s10], [sflag:$0x1], $0x10, s15, s13, $0xb8;
	[tilespmem:$0x5780] =	vst v63  }
0x1c: {  	_ =	swait.ge [sflag:s9], $0x800  }
0x1d: {  	s15 =	simm.s32 $0x200;
	[sflag:s9] =	ssyncset.done $0x0  }
.LBB2_2:
0x1e: {  	s16 =	sshra.s32 s15, $0x2;
	[sflag:s9] =	ssyncadd.s32 $0xFFFFF800;
	p0 =	sne.s32 s15, $0x9E00  }
0x1f: {  	[spmem:s2] =	stream.indirect.scatter.add.f32 [tilespmem:s10], [sflag:$0x1], $0x10, s16, s13, $0xb8;
	[tilespmem:$0x5780] =	vst v63  }
.Ltmp0:
0x20: {  	_ = 	snop;
	(pc) =	sbr.rel @p0 .LBB2_2-.Ltmp0, $4  }
0x21: {  	_ = 	snop  }
0x22: {  	s15 =	sadd.s32 $0x200, s15  }
0x23: {  	_ =	swait.ge [sflag:s9], $0x800  }
0x24: {  	[sflag:s9] =	ssyncset.done $0x0  }
0x25: {  	s14 =	sadd.s32 $0x1, s14  }
0x26: {  	[sflag:s9] =	ssyncadd.s32 $0xFFFFF800;
	p0 =	sne.s32 s14, s8  }
.Ltmp1:
0x27: {  	[bflag:$0x0] =	sbarrier.arrive $0xFFFF;
	(pc) =	sbr.rel @p0 .LBB2_1-.Ltmp1, $4  }
0x28: {  	[hbm:s7], [sflag:s11] =	dma.local [spmem:s12], $0x4F0  }
0x29: {  	_ =	swait.ge [sflag:s9], $0x4F0  }
0x2a: {  	[sflag:s9] =	ssyncset.done $0x0  }
0x2b: {  	[sflag:s9] =	ssyncadd.s32 $0xFFFFFB10  }
0x2c: {  	_ =	sfence.sel $0x180000  }
0x2d: {  	[bflag:$0x0] =	sbarrier.arrive $0xFFFF  }
0x2e: {  	p0 =	sne.s32 s0, $0x0;
	_ =	strace $0x90000047  }
0x2f: {  	s0 =	sadd.s32 @!p0 $0x100000, s1;
	[bflag:$0x2] =	sbarrier.arrive $0xFFFF  }
0x30: {  	[sflag:s0] =	ssyncadd.tile.s32 @!p0 $0x1;
	_ =	shalt  }
.Lfunc_end2:
_tile_overlayer_lowered:
.L_overlay_start_2:
0x31: {  	(tag) =	ssettag $0x2  }
0x32: {  	s0 =	rddreg [dreg:$0x0];
	s2 =	stileid.u32  }
0x33: {  	s1 =	rddreg [dreg:$0x1];
	p0 =	sne.s32 s2, $0x0  }
0x34: {  	s3 =	rddreg [dreg:$0x2];
	[bflag:$0x3] =	sbarrier.arrive $0xFFFF;
	s2 =	simm.s32 @!p0 $0x1C01  }
0x35: {  	[timem:s3], [sflag:s2] =	dma.local @!p0 [hbm:s0], s1  }
0x36: {  	s0 =	simm.s32 @!p0 $0x1  }
0x37: {  	_ =	swait.ge @!p0 [sflag:s0], s1  }
0x38: {  	s1 =	ssub.s32 @!p0 $0x0, s1;
	[sflag:s0] =	ssyncset.done @!p0 $0x0  }
0x39: {  	[sflag:s0] =	ssyncadd.s32 @!p0 s1  }
0x3a: {  	[bflag:$0x3] =	sbarrier.arrive $0xFFFF  }
0x3b: {  	_ =	shalt  }

</sc_bundles>
